<compile_context>
chip_gen: v7x
topology: tpu7x:2x2x1
jax: 0.10.2.dev20260603
libtpu: 0.0.44.dev20260713+nightly
codegen_flags: <defaults>
</compile_context>

<pallas_src>
import functools

import jax
import jax.numpy as jnp
from jax import lax
from jax.experimental import pallas as pl
from jax.experimental.pallas import tpu as pltpu
from jax.experimental.pallas import tpu_sc as plsc

MAX_RATING = 5.0
MIN_RATING = 1.0

B = 16384
D = 128
NH = 128

_NC = 2
_NS = 16
_NW = _NC * _NS
_CHUNK = 128
_NBUFMAX = 7

_SEGROWS = (16384,)


@functools.cache
def _make_gather(nrows):
    bpw = nrows // _NW
    nchunk = bpw // _CHUNK
    ngath = 2 * nchunk
    nbuf = min(_NBUFMAX, ngath)
    ipw = nchunk
    mesh = plsc.VectorSubcoreMesh(core_axis_name="c", subcore_axis_name="s")

    @functools.partial(
        pl.kernel,
        mesh=mesh,
        out_type=[
            jax.ShapeDtypeStruct((nrows, D), jnp.float32),
            jax.ShapeDtypeStruct((nrows, D), jnp.float32),
        ],
        scratch_types=(
            [pltpu.VMEM((ipw, _CHUNK), jnp.int32)] * 2
            + [pltpu.VMEM((_CHUNK, D), jnp.float32)] * nbuf
            + [pltpu.SemaphoreType.DMA] * (2 + 2 * ngath)
        ),
    )
    def gather2(u_tab, m_tab, users2d, movies2d, u_out, m_out, *scratch):
        iu, im = scratch[:2]
        bufs = scratch[2:2 + nbuf]
        isems = scratch[2 + nbuf:4 + nbuf]
        gsems = scratch[4 + nbuf:4 + nbuf + ngath]
        wsems = scratch[4 + nbuf + ngath:]
        wid = lax.axis_index("s") * _NC + lax.axis_index("c")
        base = wid * bpw
        icp_u = pltpu.async_copy(users2d.at[wid], iu, isems[0])
        icp_m = pltpu.async_copy(movies2d.at[wid], im, isems[1])
        icp_u.wait()
        icp_m.wait()
        specs = [spec
                 for j in range(nchunk)
                 for spec in ((u_tab, iu, u_out, j), (m_tab, im, m_out, j))]
        gathers = [None] * ngath
        writes = [None] * ngath
        for j in range(nbuf):
            tab, idx, _, c = specs[j]
            gathers[j] = pltpu.async_copy(tab.at[idx.at[c]], bufs[j], gsems[j])
        for j in range(ngath):
            if j >= nbuf:
                writes[j - nbuf].wait()
                tab, idx, _, c = specs[j]
                gathers[j] = pltpu.async_copy(tab.at[idx.at[c]],
                                              bufs[j % nbuf], gsems[j])
            gathers[j].wait()
            _, _, out_hbm, c = specs[j]
            writes[j] = pltpu.async_copy(
                bufs[j % nbuf],
                out_hbm.at[pl.ds(base + c * _CHUNK, _CHUNK)], wsems[j])
        for j in range(ngath - nbuf, ngath):
            writes[j].wait()

    return gather2


_TILE = 4096

_DNUM = (((1,), (1,)), ((), ()))


def _mlp_body(u2_ref, m2_ref, w1_ref, b1_ref, w2_ref, b2_ref, out_ref):
    w1 = w1_ref[...]
    h = (lax.dot_general(u2_ref[...], w1[:, :D], _DNUM,
                         preferred_element_type=jnp.float32)
         + lax.dot_general(m2_ref[...], w1[:, D:], _DNUM,
                           preferred_element_type=jnp.float32)
         + b1_ref[...])
    h = jnp.maximum(h, 0.0)
    z = jnp.sum(h * w2_ref[...], axis=1) + b2_ref[0, 0]
    r = jax.nn.sigmoid(z) * (MAX_RATING - MIN_RATING) + MIN_RATING
    out_ref[...] = r.reshape(_TILE // 128, 128)


def _mlp(u2, m2, w1, b1, w2, b2):
    nrows = u2.shape[0]
    grid = (nrows // _TILE,)
    return pl.pallas_call(
        _mlp_body,
        grid=grid,
        in_specs=[
            pl.BlockSpec((_TILE, D), lambda i: (i, 0)),
            pl.BlockSpec((_TILE, D), lambda i: (i, 0)),
            pl.BlockSpec((NH, 2 * D), lambda i: (0, 0)),
            pl.BlockSpec((1, NH), lambda i: (0, 0)),
            pl.BlockSpec((1, NH), lambda i: (0, 0)),
            pl.BlockSpec((1, 1), lambda i: (0, 0)),
        ],
        out_specs=pl.BlockSpec((_TILE // 128, 128), lambda i: (i, 0)),
        out_shape=jax.ShapeDtypeStruct((nrows // 128, 128), jnp.float32),
    )(u2, m2, w1, b1, w2, b2)


def kernel(users, movies, u_weight, m_weight, lin1_w, lin1_b, lin2_w, lin2_b):
    b1 = lin1_b.reshape(1, NH)
    w2 = lin2_w.reshape(1, NH)
    b2 = lin2_b.reshape(1, 1)
    halves = []
    row0 = 0
    for nrows in _SEGROWS:
        ipw = nrows // _NW // _CHUNK
        u_idx = lax.dynamic_slice_in_dim(users, row0, nrows).reshape(
            _NW, ipw, _CHUNK)
        m_idx = lax.dynamic_slice_in_dim(movies, row0, nrows).reshape(
            _NW, ipw, _CHUNK)
        halves.append(_make_gather(nrows)(u_weight, m_weight, u_idx, m_idx))
        row0 += nrows
    outs = [_mlp(u2, m2, lin1_w, b1, w2, b2) for u2, m2 in halves]
    if len(outs) == 1:
        return outs[0].reshape(B, 1)
    return jnp.concatenate(outs, axis=0).reshape(B, 1)

# --- scband reference (transcript-rebuilt; emitter-appended) ---
"""Pipeline reference for scband-user-movie-embedding-80719615361362 (READ-ONLY COPY).

The authoritative reference and input builder live on the scoring server;
editing this copy changes nothing except your own understanding.
"""

import jax, jax.numpy as jnp
import numpy as np

max_rating = 5.0
min_rating = 1.0

N_USERS = 100000
N_MOVIES = 100000
N_FACTORS = 128
NH = 128
BATCH = 16384


def setup_inputs(seed: int = 0) -> dict:
    key = jax.random.key(seed)
    ks = jax.random.split(key, 8)
    users = jax.random.randint(ks[0], (BATCH,), 0, N_USERS, dtype=jnp.int64 if jax.config.jax_enable_x64 else jnp.int32).astype(jnp.int32)
    movies = jax.random.randint(ks[1], (BATCH,), 0, N_MOVIES, dtype=jnp.int64 if jax.config.jax_enable_x64 else jnp.int32).astype(jnp.int32)
    u_weight = jax.random.uniform(ks[2], (N_USERS, N_FACTORS), minval=-0.01, maxval=0.01, dtype=jnp.float32)
    m_weight = jax.random.uniform(ks[3], (N_MOVIES, N_FACTORS), minval=-0.01, maxval=0.01, dtype=jnp.float32)
    lin1_w = (jax.random.normal(ks[4], (NH, 2 * N_FACTORS), dtype=jnp.float32) / np.sqrt(2 * N_FACTORS)).astype(jnp.float32)
    lin1_b = jnp.zeros((NH,), dtype=jnp.float32)
    lin2_w = (jax.random.normal(ks[5], (1, NH), dtype=jnp.float32) / np.sqrt(NH)).astype(jnp.float32)
    lin2_b = jnp.zeros((1,), dtype=jnp.float32)
    return {
        'users': users,
        'movies': movies,
        'u_weight': u_weight,
        'm_weight': m_weight,
        'lin1_w': lin1_w,
        'lin1_b': lin1_b,
        'lin2_w': lin2_w,
        'lin2_b': lin2_b,
    }


def reference(users, movies, u_weight, m_weight, lin1_w, lin1_b, lin2_w, lin2_b):
    # Embedding lookups (SparseCore-friendly gathers)
    u2 = jnp.take(u_weight, users, axis=0)
    m2 = jnp.take(m_weight, movies, axis=0)
    # Dropout layers are identity at inference (eval mode)
    x = jnp.concatenate([u2, m2], axis=1)
    x = jax.nn.relu(x @ lin1_w.T + lin1_b)
    r = jax.nn.sigmoid(x @ lin2_w.T + lin2_b) * (max_rating - min_rating) + min_rating
    return r

if __name__ == "__main__":
    import jax
    _d = setup_inputs()
    print(jax.jit(kernel)(*tuple(_d.values())))

</pallas_src>

<mosaic_0001>
#map = affine_map<(d0, d1) -> (0, 0)>
#map1 = affine_map<(d0, d1) -> (0, 0, 0)>
module attributes {stable_mosaic.version = 14 : i64} {
  func.func @gather2(%arg0: i32, %arg1: i32, %arg2: memref<100000x128xf32, #tpu.memory_space<hbm>>, %arg3: memref<100000x128xf32, #tpu.memory_space<hbm>>, %arg4: memref<32x4x128xi32, #tpu.memory_space<hbm>>, %arg5: memref<32x4x128xi32, #tpu.memory_space<hbm>>, %arg6: memref<16384x128xf32, #tpu.memory_space<hbm>>, %arg7: memref<16384x128xf32, #tpu.memory_space<hbm>>, %arg8: memref<4x128xi32, #tpu.memory_space<vmem>>, %arg9: memref<4x128xi32, #tpu.memory_space<vmem>>, %arg10: memref<128x128xf32, #tpu.memory_space<vmem>>, %arg11: memref<128x128xf32, #tpu.memory_space<vmem>>, %arg12: memref<128x128xf32, #tpu.memory_space<vmem>>, %arg13: memref<128x128xf32, #tpu.memory_space<vmem>>, %arg14: memref<128x128xf32, #tpu.memory_space<vmem>>, %arg15: memref<128x128xf32, #tpu.memory_space<vmem>>, %arg16: memref<128x128xf32, #tpu.memory_space<vmem>>, %arg17: memref<!tpu.dma_semaphore, #tpu.memory_space<semaphore_mem>>, %arg18: memref<!tpu.dma_semaphore, #tpu.memory_space<semaphore_mem>>, %arg19: memref<!tpu.dma_semaphore, #tpu.memory_space<semaphore_mem>>, %arg20: memref<!tpu.dma_semaphore, #tpu.memory_space<semaphore_mem>>, %arg21: memref<!tpu.dma_semaphore, #tpu.memory_space<semaphore_mem>>, %arg22: memref<!tpu.dma_semaphore, #tpu.memory_space<semaphore_mem>>, %arg23: memref<!tpu.dma_semaphore, #tpu.memory_space<semaphore_mem>>, %arg24: memref<!tpu.dma_semaphore, #tpu.memory_space<semaphore_mem>>, %arg25: memref<!tpu.dma_semaphore, #tpu.memory_space<semaphore_mem>>, %arg26: memref<!tpu.dma_semaphore, #tpu.memory_space<semaphore_mem>>, %arg27: memref<!tpu.dma_semaphore, #tpu.memory_space<semaphore_mem>>, %arg28: memref<!tpu.dma_semaphore, #tpu.memory_space<semaphore_mem>>, %arg29: memref<!tpu.dma_semaphore, #tpu.memory_space<semaphore_mem>>, %arg30: memref<!tpu.dma_semaphore, #tpu.memory_space<semaphore_mem>>, %arg31: memref<!tpu.dma_semaphore, #tpu.memory_space<semaphore_mem>>, %arg32: memref<!tpu.dma_semaphore, #tpu.memory_space<semaphore_mem>>, %arg33: memref<!tpu.dma_semaphore, #tpu.memory_space<semaphore_mem>>, %arg34: memref<!tpu.dma_semaphore, #tpu.memory_space<semaphore_mem>>) attributes {dimension_semantics = [#tpu.dimension_semantics<core_parallel>, #tpu.dimension_semantics<subcore_parallel>], iteration_bounds = array<i64: 2, 16>, scalar_prefetch = 0 : i64, scratch_operands = 27 : i64, tpu.core_type = #tpu.core_type<sc_vector_subcore>, window_params = [{transform_indices = #map}, {transform_indices = #map}, {transform_indices = #map1}, {transform_indices = #map1}, {transform_indices = #map}, {transform_indices = #map}]} {
    %mul3A = arith.constant 2 : i32
    %mul3A_0 = arith.muli %arg1, %mul3A : i32
    %add3A = arith.addi %mul3A_0, %arg0 : i32
    %mul3A_1 = arith.constant 512 : i32
    %mul3A_2 = arith.muli %add3A, %mul3A_1 : i32
    %dma_start3A = arith.constant 0 : i32
    %dma_start3A_3 = arith.constant 0 : i32
    %dma_start3A_4 = tpu.memref_slice %arg4[%add3A, %dma_start3A, %dma_start3A_3] : memref<32x4x128xi32, #tpu.memory_space<hbm>> -> memref<1x4x128xi32, #tpu.memory_space<hbm>>
    %dma_start3A_5 = tpu.memref_squeeze %dma_start3A_4 : memref<1x4x128xi32, #tpu.memory_space<hbm>> -> memref<4x128xi32, #tpu.memory_space<hbm>>
    %dma_start3A_6 = arith.constant 0 : i32
    %dma_start3A_7 = arith.constant 0 : i32
    %dma_start3A_8 = tpu.memref_slice %arg4[%add3A, %dma_start3A_6, %dma_start3A_7] : memref<32x4x128xi32, #tpu.memory_space<hbm>> -> memref<1x4x128xi32, #tpu.memory_space<hbm>>
    %dma_start3A_9 = tpu.memref_squeeze %dma_start3A_8 : memref<1x4x128xi32, #tpu.memory_space<hbm>> -> memref<4x128xi32, #tpu.memory_space<hbm>>
    tpu.enqueue_dma source(%dma_start3A_9 : memref<4x128xi32, #tpu.memory_space<hbm>>) target(%arg8 : memref<4x128xi32, #tpu.memory_space<vmem>>) target_semaphore(%arg17 : memref<!tpu.dma_semaphore, #tpu.memory_space<semaphore_mem>>)
    %dma_start3A_10 = arith.constant 0 : i32
    %dma_start3A_11 = arith.constant 0 : i32
    %dma_start3A_12 = tpu.memref_slice %arg5[%add3A, %dma_start3A_10, %dma_start3A_11] : memref<32x4x128xi32, #tpu.memory_space<hbm>> -> memref<1x4x128xi32, #tpu.memory_space<hbm>>
    %dma_start3A_13 = tpu.memref_squeeze %dma_start3A_12 : memref<1x4x128xi32, #tpu.memory_space<hbm>> -> memref<4x128xi32, #tpu.memory_space<hbm>>
    %dma_start3A_14 = arith.constant 0 : i32
    %dma_start3A_15 = arith.constant 0 : i32
    %dma_start3A_16 = tpu.memref_slice %arg5[%add3A, %dma_start3A_14, %dma_start3A_15] : memref<32x4x128xi32, #tpu.memory_space<hbm>> -> memref<1x4x128xi32, #tpu.memory_space<hbm>>
    %dma_start3A_17 = tpu.memref_squeeze %dma_start3A_16 : memref<1x4x128xi32, #tpu.memory_space<hbm>> -> memref<4x128xi32, #tpu.memory_space<hbm>>
    tpu.enqueue_dma source(%dma_start3A_17 : memref<4x128xi32, #tpu.memory_space<hbm>>) target(%arg9 : memref<4x128xi32, #tpu.memory_space<vmem>>) target_semaphore(%arg18 : memref<!tpu.dma_semaphore, #tpu.memory_space<semaphore_mem>>)
    %dma_wait3A = arith.constant 0 : i32
    %dma_wait3A_18 = arith.constant 0 : i32
    %dma_wait3A_19 = tpu.memref_slice %arg4[%add3A, %dma_wait3A, %dma_wait3A_18] : memref<32x4x128xi32, #tpu.memory_space<hbm>> -> memref<1x4x128xi32, #tpu.memory_space<hbm>>
    %dma_wait3A_20 = tpu.memref_squeeze %dma_wait3A_19 : memref<1x4x128xi32, #tpu.memory_space<hbm>> -> memref<4x128xi32, #tpu.memory_space<hbm>>
    %dma_wait3A_21 = arith.constant 0 : i32
    %dma_wait3A_22 = arith.constant 0 : i32
    %dma_wait3A_23 = tpu.memref_slice %arg4[%add3A, %dma_wait3A_21, %dma_wait3A_22] : memref<32x4x128xi32, #tpu.memory_space<hbm>> -> memref<1x4x128xi32, #tpu.memory_space<hbm>>
    %dma_wait3A_24 = tpu.memref_squeeze %dma_wait3A_23 : memref<1x4x128xi32, #tpu.memory_space<hbm>> -> memref<4x128xi32, #tpu.memory_space<hbm>>
    tpu.wait_dma2 semaphore(%arg17 : memref<!tpu.dma_semaphore, #tpu.memory_space<semaphore_mem>>) src(%dma_wait3A_24 : memref<4x128xi32, #tpu.memory_space<hbm>>) dst(%arg8 : memref<4x128xi32, #tpu.memory_space<vmem>>)
    %dma_wait3A_25 = arith.constant 0 : i32
    %dma_wait3A_26 = arith.constant 0 : i32
    %dma_wait3A_27 = tpu.memref_slice %arg5[%add3A, %dma_wait3A_25, %dma_wait3A_26] : memref<32x4x128xi32, #tpu.memory_space<hbm>> -> memref<1x4x128xi32, #tpu.memory_space<hbm>>
    %dma_wait3A_28 = tpu.memref_squeeze %dma_wait3A_27 : memref<1x4x128xi32, #tpu.memory_space<hbm>> -> memref<4x128xi32, #tpu.memory_space<hbm>>
    %dma_wait3A_29 = arith.constant 0 : i32
    %dma_wait3A_30 = arith.constant 0 : i32
    %dma_wait3A_31 = tpu.memref_slice %arg5[%add3A, %dma_wait3A_29, %dma_wait3A_30] : memref<32x4x128xi32, #tpu.memory_space<hbm>> -> memref<1x4x128xi32, #tpu.memory_space<hbm>>
    %dma_wait3A_32 = tpu.memref_squeeze %dma_wait3A_31 : memref<1x4x128xi32, #tpu.memory_space<hbm>> -> memref<4x128xi32, #tpu.memory_space<hbm>>
    tpu.wait_dma2 semaphore(%arg18 : memref<!tpu.dma_semaphore, #tpu.memory_space<semaphore_mem>>) src(%dma_wait3A_32 : memref<4x128xi32, #tpu.memory_space<hbm>>) dst(%arg9 : memref<4x128xi32, #tpu.memory_space<vmem>>)
    %dma_start3A_33 = arith.constant 0 : i32
    %dma_start3A_34 = arith.constant 0 : i32
    %dma_start3A_35 = tpu.memref_slice %arg8[%dma_start3A_33, %dma_start3A_34] : memref<4x128xi32, #tpu.memory_space<vmem>> -> memref<1x128xi32, #tpu.memory_space<vmem>>
    %dma_start3A_36 = tpu.memref_squeeze %dma_start3A_35 : memref<1x128xi32, #tpu.memory_space<vmem>> -> memref<128xi32, #tpu.memory_space<vmem>>
    %dma_start3A_37 = arith.constant 0 : i32
    %dma_start3A_38 = arith.constant 0 : i32
    %dma_start3A_39 = tpu.memref_slice %arg2[%dma_start3A_37, %dma_start3A_38] : memref<100000x128xf32, #tpu.memory_space<hbm>> -> memref<100000x128xf32, #tpu.memory_space<hbm>>
    tpu.enqueue_indirect_dma source(%dma_start3A_39 : memref<100000x128xf32, #tpu.memory_space<hbm>>) target(%arg10 : memref<128x128xf32, #tpu.memory_space<vmem>>) offsets(%dma_start3A_36 : memref<128xi32, #tpu.memory_space<vmem>>) semaphore(%arg19 : memref<!tpu.dma_semaphore, #tpu.memory_space<semaphore_mem>>)
    %dma_start3A_40 = arith.constant 0 : i32
    %dma_start3A_41 = arith.constant 0 : i32
    %dma_start3A_42 = tpu.memref_slice %arg9[%dma_start3A_40, %dma_start3A_41] : memref<4x128xi32, #tpu.memory_space<vmem>> -> memref<1x128xi32, #tpu.memory_space<vmem>>
    %dma_start3A_43 = tpu.memref_squeeze %dma_start3A_42 : memref<1x128xi32, #tpu.memory_space<vmem>> -> memref<128xi32, #tpu.memory_space<vmem>>
    %dma_start3A_44 = arith.constant 0 : i32
    %dma_start3A_45 = arith.constant 0 : i32
    %dma_start3A_46 = tpu.memref_slice %arg3[%dma_start3A_44, %dma_start3A_45] : memref<100000x128xf32, #tpu.memory_space<hbm>> -> memref<100000x128xf32, #tpu.memory_space<hbm>>
    tpu.enqueue_indirect_dma source(%dma_start3A_46 : memref<100000x128xf32, #tpu.memory_space<hbm>>) target(%arg11 : memref<128x128xf32, #tpu.memory_space<vmem>>) offsets(%dma_start3A_43 : memref<128xi32, #tpu.memory_space<vmem>>) semaphore(%arg20 : memref<!tpu.dma_semaphore, #tpu.memory_space<semaphore_mem>>)
    %dma_start3A_47 = arith.constant 1 : i32
    %dma_start3A_48 = arith.constant 0 : i32
    %dma_start3A_49 = tpu.memref_slice %arg8[%dma_start3A_47, %dma_start3A_48] : memref<4x128xi32, #tpu.memory_space<vmem>> -> memref<1x128xi32, #tpu.memory_space<vmem>>
    %dma_start3A_50 = tpu.memref_squeeze %dma_start3A_49 : memref<1x128xi32, #tpu.memory_space<vmem>> -> memref<128xi32, #tpu.memory_space<vmem>>
    %dma_start3A_51 = arith.constant 0 : i32
    %dma_start3A_52 = arith.constant 0 : i32
    %dma_start3A_53 = tpu.memref_slice %arg2[%dma_start3A_51, %dma_start3A_52] : memref<100000x128xf32, #tpu.memory_space<hbm>> -> memref<100000x128xf32, #tpu.memory_space<hbm>>
    tpu.enqueue_indirect_dma source(%dma_start3A_53 : memref<100000x128xf32, #tpu.memory_space<hbm>>) target(%arg12 : memref<128x128xf32, #tpu.memory_space<vmem>>) offsets(%dma_start3A_50 : memref<128xi32, #tpu.memory_space<vmem>>) semaphore(%arg21 : memref<!tpu.dma_semaphore, #tpu.memory_space<semaphore_mem>>)
    %dma_start3A_54 = arith.constant 1 : i32
    %dma_start3A_55 = arith.constant 0 : i32
    %dma_start3A_56 = tpu.memref_slice %arg9[%dma_start3A_54, %dma_start3A_55] : memref<4x128xi32, #tpu.memory_space<vmem>> -> memref<1x128xi32, #tpu.memory_space<vmem>>
    %dma_start3A_57 = tpu.memref_squeeze %dma_start3A_56 : memref<1x128xi32, #tpu.memory_space<vmem>> -> memref<128xi32, #tpu.memory_space<vmem>>
    %dma_start3A_58 = arith.constant 0 : i32
    %dma_start3A_59 = arith.constant 0 : i32
    %dma_start3A_60 = tpu.memref_slice %arg3[%dma_start3A_58, %dma_start3A_59] : memref<100000x128xf32, #tpu.memory_space<hbm>> -> memref<100000x128xf32, #tpu.memory_space<hbm>>
    tpu.enqueue_indirect_dma source(%dma_start3A_60 : memref<100000x128xf32, #tpu.memory_space<hbm>>) target(%arg13 : memref<128x128xf32, #tpu.memory_space<vmem>>) offsets(%dma_start3A_57 : memref<128xi32, #tpu.memory_space<vmem>>) semaphore(%arg22 : memref<!tpu.dma_semaphore, #tpu.memory_space<semaphore_mem>>)
    %dma_start3A_61 = arith.constant 2 : i32
    %dma_start3A_62 = arith.constant 0 : i32
    %dma_start3A_63 = tpu.memref_slice %arg8[%dma_start3A_61, %dma_start3A_62] : memref<4x128xi32, #tpu.memory_space<vmem>> -> memref<1x128xi32, #tpu.memory_space<vmem>>
    %dma_start3A_64 = tpu.memref_squeeze %dma_start3A_63 : memref<1x128xi32, #tpu.memory_space<vmem>> -> memref<128xi32, #tpu.memory_space<vmem>>
    %dma_start3A_65 = arith.constant 0 : i32
    %dma_start3A_66 = arith.constant 0 : i32
    %dma_start3A_67 = tpu.memref_slice %arg2[%dma_start3A_65, %dma_start3A_66] : memref<100000x128xf32, #tpu.memory_space<hbm>> -> memref<100000x128xf32, #tpu.memory_space<hbm>>
    tpu.enqueue_indirect_dma source(%dma_start3A_67 : memref<100000x128xf32, #tpu.memory_space<hbm>>) target(%arg14 : memref<128x128xf32, #tpu.memory_space<vmem>>) offsets(%dma_start3A_64 : memref<128xi32, #tpu.memory_space<vmem>>) semaphore(%arg23 : memref<!tpu.dma_semaphore, #tpu.memory_space<semaphore_mem>>)
    %dma_start3A_68 = arith.constant 2 : i32
    %dma_start3A_69 = arith.constant 0 : i32
    %dma_start3A_70 = tpu.memref_slice %arg9[%dma_start3A_68, %dma_start3A_69] : memref<4x128xi32, #tpu.memory_space<vmem>> -> memref<1x128xi32, #tpu.memory_space<vmem>>
    %dma_start3A_71 = tpu.memref_squeeze %dma_start3A_70 : memref<1x128xi32, #tpu.memory_space<vmem>> -> memref<128xi32, #tpu.memory_space<vmem>>
    %dma_start3A_72 = arith.constant 0 : i32
    %dma_start3A_73 = arith.constant 0 : i32
    %dma_start3A_74 = tpu.memref_slice %arg3[%dma_start3A_72, %dma_start3A_73] : memref<100000x128xf32, #tpu.memory_space<hbm>> -> memref<100000x128xf32, #tpu.memory_space<hbm>>
    tpu.enqueue_indirect_dma source(%dma_start3A_74 : memref<100000x128xf32, #tpu.memory_space<hbm>>) target(%arg15 : memref<128x128xf32, #tpu.memory_space<vmem>>) offsets(%dma_start3A_71 : memref<128xi32, #tpu.memory_space<vmem>>) semaphore(%arg24 : memref<!tpu.dma_semaphore, #tpu.memory_space<semaphore_mem>>)
    %dma_start3A_75 = arith.constant 3 : i32
    %dma_start3A_76 = arith.constant 0 : i32
    %dma_start3A_77 = tpu.memref_slice %arg8[%dma_start3A_75, %dma_start3A_76] : memref<4x128xi32, #tpu.memory_space<vmem>> -> memref<1x128xi32, #tpu.memory_space<vmem>>
    %dma_start3A_78 = tpu.memref_squeeze %dma_start3A_77 : memref<1x128xi32, #tpu.memory_space<vmem>> -> memref<128xi32, #tpu.memory_space<vmem>>
    %dma_start3A_79 = arith.constant 0 : i32
    %dma_start3A_80 = arith.constant 0 : i32
    %dma_start3A_81 = tpu.memref_slice %arg2[%dma_start3A_79, %dma_start3A_80] : memref<100000x128xf32, #tpu.memory_space<hbm>> -> memref<100000x128xf32, #tpu.memory_space<hbm>>
    tpu.enqueue_indirect_dma source(%dma_start3A_81 : memref<100000x128xf32, #tpu.memory_space<hbm>>) target(%arg16 : memref<128x128xf32, #tpu.memory_space<vmem>>) offsets(%dma_start3A_78 : memref<128xi32, #tpu.memory_space<vmem>>) semaphore(%arg25 : memref<!tpu.dma_semaphore, #tpu.memory_space<semaphore_mem>>)
    %dma_wait3A_82 = arith.constant 0 : i32
    %dma_wait3A_83 = arith.constant 0 : i32
    %dma_wait3A_84 = tpu.memref_slice %arg8[%dma_wait3A_82, %dma_wait3A_83] : memref<4x128xi32, #tpu.memory_space<vmem>> -> memref<1x128xi32, #tpu.memory_space<vmem>>
    %dma_wait3A_85 = tpu.memref_squeeze %dma_wait3A_84 : memref<1x128xi32, #tpu.memory_space<vmem>> -> memref<128xi32, #tpu.memory_space<vmem>>
    %dma_wait3A_86 = arith.constant 0 : i32
    %dma_wait3A_87 = arith.constant 0 : i32
    %dma_wait3A_88 = tpu.memref_slice %arg2[%dma_wait3A_86, %dma_wait3A_87] : memref<100000x128xf32, #tpu.memory_space<hbm>> -> memref<100000x128xf32, #tpu.memory_space<hbm>>
    tpu.wait_indirect_dma semaphore(%arg19 : memref<!tpu.dma_semaphore, #tpu.memory_space<semaphore_mem>>) src(%dma_wait3A_88 : memref<100000x128xf32, #tpu.memory_space<hbm>>) dst(%arg10 : memref<128x128xf32, #tpu.memory_space<vmem>>)
    %add3A_89 = arith.constant 0 : i32
    %add3A_90 = arith.addi %mul3A_2, %add3A_89 : i32
    %dma_start3A_91 = arith.constant 0 : i32
    %dma_start3A_92 = tpu.memref_slice %arg6[%add3A_90, %dma_start3A_91] : memref<16384x128xf32, #tpu.memory_space<hbm>> -> memref<128x128xf32, #tpu.memory_space<hbm>>
    %dma_start3A_93 = arith.constant 0 : i32
    %dma_start3A_94 = tpu.memref_slice %arg6[%add3A_90, %dma_start3A_93] : memref<16384x128xf32, #tpu.memory_space<hbm>> -> memref<128x128xf32, #tpu.memory_space<hbm>>
    tpu.enqueue_dma source(%arg10 : memref<128x128xf32, #tpu.memory_space<vmem>>) target(%dma_start3A_94 : memref<128x128xf32, #tpu.memory_space<hbm>>) target_semaphore(%arg27 : memref<!tpu.dma_semaphore, #tpu.memory_space<semaphore_mem>>)
    %dma_wait3A_95 = arith.constant 0 : i32
    %dma_wait3A_96 = arith.constant 0 : i32
    %dma_wait3A_97 = tpu.memref_slice %arg9[%dma_wait3A_95, %dma_wait3A_96] : memref<4x128xi32, #tpu.memory_space<vmem>> -> memref<1x128xi32, #tpu.memory_space<vmem>>
    %dma_wait3A_98 = tpu.memref_squeeze %dma_wait3A_97 : memref<1x128xi32, #tpu.memory_space<vmem>> -> memref<128xi32, #tpu.memory_space<vmem>>
    %dma_wait3A_99 = arith.constant 0 : i32
    %dma_wait3A_100 = arith.constant 0 : i32
    %dma_wait3A_101 = tpu.memref_slice %arg3[%dma_wait3A_99, %dma_wait3A_100] : memref<100000x128xf32, #tpu.memory_space<hbm>> -> memref<100000x128xf32, #tpu.memory_space<hbm>>
    tpu.wait_indirect_dma semaphore(%arg20 : memref<!tpu.dma_semaphore, #tpu.memory_space<semaphore_mem>>) src(%dma_wait3A_101 : memref<100000x128xf32, #tpu.memory_space<hbm>>) dst(%arg11 : memref<128x128xf32, #tpu.memory_space<vmem>>)
    %add3A_102 = arith.constant 0 : i32
    %add3A_103 = arith.addi %mul3A_2, %add3A_102 : i32
    %dma_start3A_104 = arith.constant 0 : i32
    %dma_start3A_105 = tpu.memref_slice %arg7[%add3A_103, %dma_start3A_104] : memref<16384x128xf32, #tpu.memory_space<hbm>> -> memref<128x128xf32, #tpu.memory_space<hbm>>
    %dma_start3A_106 = arith.constant 0 : i32
    %dma_start3A_107 = tpu.memref_slice %arg7[%add3A_103, %dma_start3A_106] : memref<16384x128xf32, #tpu.memory_space<hbm>> -> memref<128x128xf32, #tpu.memory_space<hbm>>
    tpu.enqueue_dma source(%arg11 : memref<128x128xf32, #tpu.memory_space<vmem>>) target(%dma_start3A_107 : memref<128x128xf32, #tpu.memory_space<hbm>>) target_semaphore(%arg28 : memref<!tpu.dma_semaphore, #tpu.memory_space<semaphore_mem>>)
    %dma_wait3A_108 = arith.constant 1 : i32
    %dma_wait3A_109 = arith.constant 0 : i32
    %dma_wait3A_110 = tpu.memref_slice %arg8[%dma_wait3A_108, %dma_wait3A_109] : memref<4x128xi32, #tpu.memory_space<vmem>> -> memref<1x128xi32, #tpu.memory_space<vmem>>
    %dma_wait3A_111 = tpu.memref_squeeze %dma_wait3A_110 : memref<1x128xi32, #tpu.memory_space<vmem>> -> memref<128xi32, #tpu.memory_space<vmem>>
    %dma_wait3A_112 = arith.constant 0 : i32
    %dma_wait3A_113 = arith.constant 0 : i32
    %dma_wait3A_114 = tpu.memref_slice %arg2[%dma_wait3A_112, %dma_wait3A_113] : memref<100000x128xf32, #tpu.memory_space<hbm>> -> memref<100000x128xf32, #tpu.memory_space<hbm>>
    tpu.wait_indirect_dma semaphore(%arg21 : memref<!tpu.dma_semaphore, #tpu.memory_space<semaphore_mem>>) src(%dma_wait3A_114 : memref<100000x128xf32, #tpu.memory_space<hbm>>) dst(%arg12 : memref<128x128xf32, #tpu.memory_space<vmem>>)
    %add3A_115 = arith.constant 128 : i32
    %add3A_116 = arith.addi %mul3A_2, %add3A_115 : i32
    %dma_start3A_117 = arith.constant 0 : i32
    %dma_start3A_118 = tpu.memref_slice %arg6[%add3A_116, %dma_start3A_117] : memref<16384x128xf32, #tpu.memory_space<hbm>> -> memref<128x128xf32, #tpu.memory_space<hbm>>
    %dma_start3A_119 = arith.constant 0 : i32
    %dma_start3A_120 = tpu.memref_slice %arg6[%add3A_116, %dma_start3A_119] : memref<16384x128xf32, #tpu.memory_space<hbm>> -> memref<128x128xf32, #tpu.memory_space<hbm>>
    tpu.enqueue_dma source(%arg12 : memref<128x128xf32, #tpu.memory_space<vmem>>) target(%dma_start3A_120 : memref<128x128xf32, #tpu.memory_space<hbm>>) target_semaphore(%arg29 : memref<!tpu.dma_semaphore, #tpu.memory_space<semaphore_mem>>)
    %dma_wait3A_121 = arith.constant 1 : i32
    %dma_wait3A_122 = arith.constant 0 : i32
    %dma_wait3A_123 = tpu.memref_slice %arg9[%dma_wait3A_121, %dma_wait3A_122] : memref<4x128xi32, #tpu.memory_space<vmem>> -> memref<1x128xi32, #tpu.memory_space<vmem>>
    %dma_wait3A_124 = tpu.memref_squeeze %dma_wait3A_123 : memref<1x128xi32, #tpu.memory_space<vmem>> -> memref<128xi32, #tpu.memory_space<vmem>>
    %dma_wait3A_125 = arith.constant 0 : i32
    %dma_wait3A_126 = arith.constant 0 : i32
    %dma_wait3A_127 = tpu.memref_slice %arg3[%dma_wait3A_125, %dma_wait3A_126] : memref<100000x128xf32, #tpu.memory_space<hbm>> -> memref<100000x128xf32, #tpu.memory_space<hbm>>
    tpu.wait_indirect_dma semaphore(%arg22 : memref<!tpu.dma_semaphore, #tpu.memory_space<semaphore_mem>>) src(%dma_wait3A_127 : memref<100000x128xf32, #tpu.memory_space<hbm>>) dst(%arg13 : memref<128x128xf32, #tpu.memory_space<vmem>>)
    %add3A_128 = arith.constant 128 : i32
    %add3A_129 = arith.addi %mul3A_2, %add3A_128 : i32
    %dma_start3A_130 = arith.constant 0 : i32
    %dma_start3A_131 = tpu.memref_slice %arg7[%add3A_129, %dma_start3A_130] : memref<16384x128xf32, #tpu.memory_space<hbm>> -> memref<128x128xf32, #tpu.memory_space<hbm>>
    %dma_start3A_132 = arith.constant 0 : i32
    %dma_start3A_133 = tpu.memref_slice %arg7[%add3A_129, %dma_start3A_132] : memref<16384x128xf32, #tpu.memory_space<hbm>> -> memref<128x128xf32, #tpu.memory_space<hbm>>
    tpu.enqueue_dma source(%arg13 : memref<128x128xf32, #tpu.memory_space<vmem>>) target(%dma_start3A_133 : memref<128x128xf32, #tpu.memory_space<hbm>>) target_semaphore(%arg30 : memref<!tpu.dma_semaphore, #tpu.memory_space<semaphore_mem>>)
    %dma_wait3A_134 = arith.constant 2 : i32
    %dma_wait3A_135 = arith.constant 0 : i32
    %dma_wait3A_136 = tpu.memref_slice %arg8[%dma_wait3A_134, %dma_wait3A_135] : memref<4x128xi32, #tpu.memory_space<vmem>> -> memref<1x128xi32, #tpu.memory_space<vmem>>
    %dma_wait3A_137 = tpu.memref_squeeze %dma_wait3A_136 : memref<1x128xi32, #tpu.memory_space<vmem>> -> memref<128xi32, #tpu.memory_space<vmem>>
    %dma_wait3A_138 = arith.constant 0 : i32
    %dma_wait3A_139 = arith.constant 0 : i32
    %dma_wait3A_140 = tpu.memref_slice %arg2[%dma_wait3A_138, %dma_wait3A_139] : memref<100000x128xf32, #tpu.memory_space<hbm>> -> memref<100000x128xf32, #tpu.memory_space<hbm>>
    tpu.wait_indirect_dma semaphore(%arg23 : memref<!tpu.dma_semaphore, #tpu.memory_space<semaphore_mem>>) src(%dma_wait3A_140 : memref<100000x128xf32, #tpu.memory_space<hbm>>) dst(%arg14 : memref<128x128xf32, #tpu.memory_space<vmem>>)
    %add3A_141 = arith.constant 256 : i32
    %add3A_142 = arith.addi %mul3A_2, %add3A_141 : i32
    %dma_start3A_143 = arith.constant 0 : i32
    %dma_start3A_144 = tpu.memref_slice %arg6[%add3A_142, %dma_start3A_143] : memref<16384x128xf32, #tpu.memory_space<hbm>> -> memref<128x128xf32, #tpu.memory_space<hbm>>
    %dma_start3A_145 = arith.constant 0 : i32
    %dma_start3A_146 = tpu.memref_slice %arg6[%add3A_142, %dma_start3A_145] : memref<16384x128xf32, #tpu.memory_space<hbm>> -> memref<128x128xf32, #tpu.memory_space<hbm>>
    tpu.enqueue_dma source(%arg14 : memref<128x128xf32, #tpu.memory_space<vmem>>) target(%dma_start3A_146 : memref<128x128xf32, #tpu.memory_space<hbm>>) target_semaphore(%arg31 : memref<!tpu.dma_semaphore, #tpu.memory_space<semaphore_mem>>)
    %dma_wait3A_147 = arith.constant 2 : i32
    %dma_wait3A_148 = arith.constant 0 : i32
    %dma_wait3A_149 = tpu.memref_slice %arg9[%dma_wait3A_147, %dma_wait3A_148] : memref<4x128xi32, #tpu.memory_space<vmem>> -> memref<1x128xi32, #tpu.memory_space<vmem>>
    %dma_wait3A_150 = tpu.memref_squeeze %dma_wait3A_149 : memref<1x128xi32, #tpu.memory_space<vmem>> -> memref<128xi32, #tpu.memory_space<vmem>>
    %dma_wait3A_151 = arith.constant 0 : i32
    %dma_wait3A_152 = arith.constant 0 : i32
    %dma_wait3A_153 = tpu.memref_slice %arg3[%dma_wait3A_151, %dma_wait3A_152] : memref<100000x128xf32, #tpu.memory_space<hbm>> -> memref<100000x128xf32, #tpu.memory_space<hbm>>
    tpu.wait_indirect_dma semaphore(%arg24 : memref<!tpu.dma_semaphore, #tpu.memory_space<semaphore_mem>>) src(%dma_wait3A_153 : memref<100000x128xf32, #tpu.memory_space<hbm>>) dst(%arg15 : memref<128x128xf32, #tpu.memory_space<vmem>>)
    %add3A_154 = arith.constant 256 : i32
    %add3A_155 = arith.addi %mul3A_2, %add3A_154 : i32
    %dma_start3A_156 = arith.constant 0 : i32
    %dma_start3A_157 = tpu.memref_slice %arg7[%add3A_155, %dma_start3A_156] : memref<16384x128xf32, #tpu.memory_space<hbm>> -> memref<128x128xf32, #tpu.memory_space<hbm>>
    %dma_start3A_158 = arith.constant 0 : i32
    %dma_start3A_159 = tpu.memref_slice %arg7[%add3A_155, %dma_start3A_158] : memref<16384x128xf32, #tpu.memory_space<hbm>> -> memref<128x128xf32, #tpu.memory_space<hbm>>
    tpu.enqueue_dma source(%arg15 : memref<128x128xf32, #tpu.memory_space<vmem>>) target(%dma_start3A_159 : memref<128x128xf32, #tpu.memory_space<hbm>>) target_semaphore(%arg32 : memref<!tpu.dma_semaphore, #tpu.memory_space<semaphore_mem>>)
    %dma_wait3A_160 = arith.constant 3 : i32
    %dma_wait3A_161 = arith.constant 0 : i32
    %dma_wait3A_162 = tpu.memref_slice %arg8[%dma_wait3A_160, %dma_wait3A_161] : memref<4x128xi32, #tpu.memory_space<vmem>> -> memref<1x128xi32, #tpu.memory_space<vmem>>
    %dma_wait3A_163 = tpu.memref_squeeze %dma_wait3A_162 : memref<1x128xi32, #tpu.memory_space<vmem>> -> memref<128xi32, #tpu.memory_space<vmem>>
    %dma_wait3A_164 = arith.constant 0 : i32
    %dma_wait3A_165 = arith.constant 0 : i32
    %dma_wait3A_166 = tpu.memref_slice %arg2[%dma_wait3A_164, %dma_wait3A_165] : memref<100000x128xf32, #tpu.memory_space<hbm>> -> memref<100000x128xf32, #tpu.memory_space<hbm>>
    tpu.wait_indirect_dma semaphore(%arg25 : memref<!tpu.dma_semaphore, #tpu.memory_space<semaphore_mem>>) src(%dma_wait3A_166 : memref<100000x128xf32, #tpu.memory_space<hbm>>) dst(%arg16 : memref<128x128xf32, #tpu.memory_space<vmem>>)
    %add3A_167 = arith.constant 384 : i32
    %add3A_168 = arith.addi %mul3A_2, %add3A_167 : i32
    %dma_start3A_169 = arith.constant 0 : i32
    %dma_start3A_170 = tpu.memref_slice %arg6[%add3A_168, %dma_start3A_169] : memref<16384x128xf32, #tpu.memory_space<hbm>> -> memref<128x128xf32, #tpu.memory_space<hbm>>
    %dma_start3A_171 = arith.constant 0 : i32
    %dma_start3A_172 = tpu.memref_slice %arg6[%add3A_168, %dma_start3A_171] : memref<16384x128xf32, #tpu.memory_space<hbm>> -> memref<128x128xf32, #tpu.memory_space<hbm>>
    tpu.enqueue_dma source(%arg16 : memref<128x128xf32, #tpu.memory_space<vmem>>) target(%dma_start3A_172 : memref<128x128xf32, #tpu.memory_space<hbm>>) target_semaphore(%arg33 : memref<!tpu.dma_semaphore, #tpu.memory_space<semaphore_mem>>)
    %dma_wait3A_173 = arith.constant 0 : i32
    %dma_wait3A_174 = tpu.memref_slice %arg6[%add3A_90, %dma_wait3A_173] : memref<16384x128xf32, #tpu.memory_space<hbm>> -> memref<128x128xf32, #tpu.memory_space<hbm>>
    %dma_wait3A_175 = arith.constant 0 : i32
    %dma_wait3A_176 = tpu.memref_slice %arg6[%add3A_90, %dma_wait3A_175] : memref<16384x128xf32, #tpu.memory_space<hbm>> -> memref<128x128xf32, #tpu.memory_space<hbm>>
    tpu.wait_dma2 semaphore(%arg27 : memref<!tpu.dma_semaphore, #tpu.memory_space<semaphore_mem>>) src(%arg10 : memref<128x128xf32, #tpu.memory_space<vmem>>) dst(%dma_wait3A_176 : memref<128x128xf32, #tpu.memory_space<hbm>>)
    %dma_start3A_177 = arith.constant 3 : i32
    %dma_start3A_178 = arith.constant 0 : i32
    %dma_start3A_179 = tpu.memref_slice %arg9[%dma_start3A_177, %dma_start3A_178] : memref<4x128xi32, #tpu.memory_space<vmem>> -> memref<1x128xi32, #tpu.memory_space<vmem>>
    %dma_start3A_180 = tpu.memref_squeeze %dma_start3A_179 : memref<1x128xi32, #tpu.memory_space<vmem>> -> memref<128xi32, #tpu.memory_space<vmem>>
    %dma_start3A_181 = arith.constant 0 : i32
    %dma_start3A_182 = arith.constant 0 : i32
    %dma_start3A_183 = tpu.memref_slice %arg3[%dma_start3A_181, %dma_start3A_182] : memref<100000x128xf32, #tpu.memory_space<hbm>> -> memref<100000x128xf32, #tpu.memory_space<hbm>>
    tpu.enqueue_indirect_dma source(%dma_start3A_183 : memref<100000x128xf32, #tpu.memory_space<hbm>>) target(%arg10 : memref<128x128xf32, #tpu.memory_space<vmem>>) offsets(%dma_start3A_180 : memref<128xi32, #tpu.memory_space<vmem>>) semaphore(%arg26 : memref<!tpu.dma_semaphore, #tpu.memory_space<semaphore_mem>>)
    %dma_wait3A_184 = arith.constant 3 : i32
    %dma_wait3A_185 = arith.constant 0 : i32
    %dma_wait3A_186 = tpu.memref_slice %arg9[%dma_wait3A_184, %dma_wait3A_185] : memref<4x128xi32, #tpu.memory_space<vmem>> -> memref<1x128xi32, #tpu.memory_space<vmem>>
    %dma_wait3A_187 = tpu.memref_squeeze %dma_wait3A_186 : memref<1x128xi32, #tpu.memory_space<vmem>> -> memref<128xi32, #tpu.memory_space<vmem>>
    %dma_wait3A_188 = arith.constant 0 : i32
    %dma_wait3A_189 = arith.constant 0 : i32
    %dma_wait3A_190 = tpu.memref_slice %arg3[%dma_wait3A_188, %dma_wait3A_189] : memref<100000x128xf32, #tpu.memory_space<hbm>> -> memref<100000x128xf32, #tpu.memory_space<hbm>>
    tpu.wait_indirect_dma semaphore(%arg26 : memref<!tpu.dma_semaphore, #tpu.memory_space<semaphore_mem>>) src(%dma_wait3A_190 : memref<100000x128xf32, #tpu.memory_space<hbm>>) dst(%arg10 : memref<128x128xf32, #tpu.memory_space<vmem>>)
    %add3A_191 = arith.constant 384 : i32
    %add3A_192 = arith.addi %mul3A_2, %add3A_191 : i32
    %dma_start3A_193 = arith.constant 0 : i32
    %dma_start3A_194 = tpu.memref_slice %arg7[%add3A_192, %dma_start3A_193] : memref<16384x128xf32, #tpu.memory_space<hbm>> -> memref<128x128xf32, #tpu.memory_space<hbm>>
    %dma_start3A_195 = arith.constant 0 : i32
    %dma_start3A_196 = tpu.memref_slice %arg7[%add3A_192, %dma_start3A_195] : memref<16384x128xf32, #tpu.memory_space<hbm>> -> memref<128x128xf32, #tpu.memory_space<hbm>>
    tpu.enqueue_dma source(%arg10 : memref<128x128xf32, #tpu.memory_space<vmem>>) target(%dma_start3A_196 : memref<128x128xf32, #tpu.memory_space<hbm>>) target_semaphore(%arg34 : memref<!tpu.dma_semaphore, #tpu.memory_space<semaphore_mem>>)
    %dma_wait3A_197 = arith.constant 0 : i32
    %dma_wait3A_198 = tpu.memref_slice %arg7[%add3A_103, %dma_wait3A_197] : memref<16384x128xf32, #tpu.memory_space<hbm>> -> memref<128x128xf32, #tpu.memory_space<hbm>>
    %dma_wait3A_199 = arith.constant 0 : i32
    %dma_wait3A_200 = tpu.memref_slice %arg7[%add3A_103, %dma_wait3A_199] : memref<16384x128xf32, #tpu.memory_space<hbm>> -> memref<128x128xf32, #tpu.memory_space<hbm>>
    tpu.wait_dma2 semaphore(%arg28 : memref<!tpu.dma_semaphore, #tpu.memory_space<semaphore_mem>>) src(%arg11 : memref<128x128xf32, #tpu.memory_space<vmem>>) dst(%dma_wait3A_200 : memref<128x128xf32, #tpu.memory_space<hbm>>)
    %dma_wait3A_201 = arith.constant 0 : i32
    %dma_wait3A_202 = tpu.memref_slice %arg6[%add3A_116, %dma_wait3A_201] : memref<16384x128xf32, #tpu.memory_space<hbm>> -> memref<128x128xf32, #tpu.memory_space<hbm>>
    %dma_wait3A_203 = arith.constant 0 : i32
    %dma_wait3A_204 = tpu.memref_slice %arg6[%add3A_116, %dma_wait3A_203] : memref<16384x128xf32, #tpu.memory_space<hbm>> -> memref<128x128xf32, #tpu.memory_space<hbm>>
    tpu.wait_dma2 semaphore(%arg29 : memref<!tpu.dma_semaphore, #tpu.memory_space<semaphore_mem>>) src(%arg12 : memref<128x128xf32, #tpu.memory_space<vmem>>) dst(%dma_wait3A_204 : memref<128x128xf32, #tpu.memory_space<hbm>>)
    %dma_wait3A_205 = arith.constant 0 : i32
    %dma_wait3A_206 = tpu.memref_slice %arg7[%add3A_129, %dma_wait3A_205] : memref<16384x128xf32, #tpu.memory_space<hbm>> -> memref<128x128xf32, #tpu.memory_space<hbm>>
    %dma_wait3A_207 = arith.constant 0 : i32
    %dma_wait3A_208 = tpu.memref_slice %arg7[%add3A_129, %dma_wait3A_207] : memref<16384x128xf32, #tpu.memory_space<hbm>> -> memref<128x128xf32, #tpu.memory_space<hbm>>
    tpu.wait_dma2 semaphore(%arg30 : memref<!tpu.dma_semaphore, #tpu.memory_space<semaphore_mem>>) src(%arg13 : memref<128x128xf32, #tpu.memory_space<vmem>>) dst(%dma_wait3A_208 : memref<128x128xf32, #tpu.memory_space<hbm>>)
    %dma_wait3A_209 = arith.constant 0 : i32
    %dma_wait3A_210 = tpu.memref_slice %arg6[%add3A_142, %dma_wait3A_209] : memref<16384x128xf32, #tpu.memory_space<hbm>> -> memref<128x128xf32, #tpu.memory_space<hbm>>
    %dma_wait3A_211 = arith.constant 0 : i32
    %dma_wait3A_212 = tpu.memref_slice %arg6[%add3A_142, %dma_wait3A_211] : memref<16384x128xf32, #tpu.memory_space<hbm>> -> memref<128x128xf32, #tpu.memory_space<hbm>>
    tpu.wait_dma2 semaphore(%arg31 : memref<!tpu.dma_semaphore, #tpu.memory_space<semaphore_mem>>) src(%arg14 : memref<128x128xf32, #tpu.memory_space<vmem>>) dst(%dma_wait3A_212 : memref<128x128xf32, #tpu.memory_space<hbm>>)
    %dma_wait3A_213 = arith.constant 0 : i32
    %dma_wait3A_214 = tpu.memref_slice %arg7[%add3A_155, %dma_wait3A_213] : memref<16384x128xf32, #tpu.memory_space<hbm>> -> memref<128x128xf32, #tpu.memory_space<hbm>>
    %dma_wait3A_215 = arith.constant 0 : i32
    %dma_wait3A_216 = tpu.memref_slice %arg7[%add3A_155, %dma_wait3A_215] : memref<16384x128xf32, #tpu.memory_space<hbm>> -> memref<128x128xf32, #tpu.memory_space<hbm>>
    tpu.wait_dma2 semaphore(%arg32 : memref<!tpu.dma_semaphore, #tpu.memory_space<semaphore_mem>>) src(%arg15 : memref<128x128xf32, #tpu.memory_space<vmem>>) dst(%dma_wait3A_216 : memref<128x128xf32, #tpu.memory_space<hbm>>)
    %dma_wait3A_217 = arith.constant 0 : i32
    %dma_wait3A_218 = tpu.memref_slice %arg6[%add3A_168, %dma_wait3A_217] : memref<16384x128xf32, #tpu.memory_space<hbm>> -> memref<128x128xf32, #tpu.memory_space<hbm>>
    %dma_wait3A_219 = arith.constant 0 : i32
    %dma_wait3A_220 = tpu.memref_slice %arg6[%add3A_168, %dma_wait3A_219] : memref<16384x128xf32, #tpu.memory_space<hbm>> -> memref<128x128xf32, #tpu.memory_space<hbm>>
    tpu.wait_dma2 semaphore(%arg33 : memref<!tpu.dma_semaphore, #tpu.memory_space<semaphore_mem>>) src(%arg16 : memref<128x128xf32, #tpu.memory_space<vmem>>) dst(%dma_wait3A_220 : memref<128x128xf32, #tpu.memory_space<hbm>>)
    %dma_wait3A_221 = arith.constant 0 : i32
    %dma_wait3A_222 = tpu.memref_slice %arg7[%add3A_192, %dma_wait3A_221] : memref<16384x128xf32, #tpu.memory_space<hbm>> -> memref<128x128xf32, #tpu.memory_space<hbm>>
    %dma_wait3A_223 = arith.constant 0 : i32
    %dma_wait3A_224 = tpu.memref_slice %arg7[%add3A_192, %dma_wait3A_223] : memref<16384x128xf32, #tpu.memory_space<hbm>> -> memref<128x128xf32, #tpu.memory_space<hbm>>
    tpu.wait_dma2 semaphore(%arg34 : memref<!tpu.dma_semaphore, #tpu.memory_space<semaphore_mem>>) src(%arg10 : memref<128x128xf32, #tpu.memory_space<vmem>>) dst(%dma_wait3A_224 : memref<128x128xf32, #tpu.memory_space<hbm>>)
    return
  }
}

module attributes {stable_mosaic.version = 14 : i64} {
  func.func @_mlp_body(%arg0: i32, %arg1: memref<4096x128xf32, #tpu.memory_space<vmem>>, %arg2: memref<4096x128xf32, #tpu.memory_space<vmem>>, %arg3: memref<128x256xf32, #tpu.memory_space<vmem>>, %arg4: memref<1x128xf32, #tpu.memory_space<vmem>>, %arg5: memref<1x128xf32, #tpu.memory_space<vmem>>, %arg6: memref<1x1xf32, #tpu.memory_space<vmem>>, %arg7: memref<32x128xf32, #tpu.memory_space<vmem>>) attributes {dimension_semantics = [#tpu.dimension_semantics<arbitrary>], iteration_bounds = array<i64: 4>, scalar_prefetch = 0 : i64, scratch_operands = 0 : i64, tpu.core_type = #tpu.core_type<tc>, window_params = [{transform_indices = @transform_0, window_bounds = array<i64: 4096, 128>}, {transform_indices = @transform_1, window_bounds = array<i64: 4096, 128>}, {pipeline_mode = #tpu.pipeline_mode<synchronous>, transform_indices = @transform_2, window_bounds = array<i64: 128, 256>}, {pipeline_mode = #tpu.pipeline_mode<synchronous>, transform_indices = @transform_3, window_bounds = array<i64: 1, 128>}, {pipeline_mode = #tpu.pipeline_mode<synchronous>, transform_indices = @transform_4, window_bounds = array<i64: 1, 128>}, {pipeline_mode = #tpu.pipeline_mode<synchronous>, transform_indices = @transform_5, window_bounds = array<i64: 1, 1>}, {transform_indices = @transform_6, window_bounds = array<i64: 32, 128>}]} {
    %get3A = arith.constant 0 : index
    %get3A_0 = arith.constant 0 : index
    %get3A_1 = vector.load %arg3[%get3A, %get3A_0] : memref<128x256xf32, #tpu.memory_space<vmem>>, vector<128x256xf32>
    %get3A_2 = arith.constant 0 : index
    %get3A_3 = arith.constant 0 : index
    %get3A_4 = vector.load %arg1[%get3A_2, %get3A_3] : memref<4096x128xf32, #tpu.memory_space<vmem>>, vector<4096x128xf32>
    %slice3A = vector.extract_strided_slice %get3A_1 {offsets = [0, 0], sizes = [128, 128], strides = [1, 1]} : vector<128x256xf32> to vector<128x128xf32>
    %dot_general3A = arith.constant dense<0.000000e+00> : vector<4096x128xf32>
    %dot_general3A_5 = tpu.matmul %get3A_4, %slice3A, %dot_general3A {dimension_numbers = #tpu.dot_dimension_numbers<[1], [1], [0], [0], [0, 0, 1, 0], [], []>, transpose_lhs_hint = false} : vector<4096x128xf32>, vector<128x128xf32>, vector<4096x128xf32> -> vector<4096x128xf32>
    %get3A_6 = arith.constant 0 : index
    %get3A_7 = arith.constant 0 : index
    %get3A_8 = vector.load %arg2[%get3A_6, %get3A_7] : memref<4096x128xf32, #tpu.memory_space<vmem>>, vector<4096x128xf32>
    %slice3A_9 = vector.extract_strided_slice %get3A_1 {offsets = [0, 128], sizes = [128, 128], strides = [1, 1]} : vector<128x256xf32> to vector<128x128xf32>
    %dot_general3A_10 = arith.constant dense<0.000000e+00> : vector<4096x128xf32>
    %dot_general3A_11 = tpu.matmul %get3A_8, %slice3A_9, %dot_general3A_10 {dimension_numbers = #tpu.dot_dimension_numbers<[1], [1], [0], [0], [0, 0, 1, 0], [], []>, transpose_lhs_hint = false} : vector<4096x128xf32>, vector<128x128xf32>, vector<4096x128xf32> -> vector<4096x128xf32>
    %add3A = arith.addf %dot_general3A_5, %dot_general3A_11 : vector<4096x128xf32>
    %get3A_12 = arith.constant 0 : index
    %get3A_13 = arith.constant 0 : index
    %get3A_14 = vector.load %arg4[%get3A_12, %get3A_13] : memref<1x128xf32, #tpu.memory_space<vmem>>, vector<1x128xf32>
    %add3A_15 = vector.broadcast %get3A_14 : vector<1x128xf32> to vector<4096x128xf32>
    %add3A_16 = arith.addf %add3A, %add3A_15 : vector<4096x128xf32>
    %max3A = arith.constant 0.000000e+00 : f32
    %max3A_17 = vector.broadcast %max3A : f32 to vector<4096x128xf32>
    %max3A_18 = arith.maximumf %add3A_16, %max3A_17 : vector<4096x128xf32>
    %get3A_19 = arith.constant 0 : index
    %get3A_20 = arith.constant 0 : index
    %get3A_21 = vector.load %arg5[%get3A_19, %get3A_20] : memref<1x128xf32, #tpu.memory_space<vmem>>, vector<1x128xf32>
    %mul3A = vector.broadcast %get3A_21 : vector<1x128xf32> to vector<4096x128xf32>
    %mul3A_22 = arith.mulf %max3A_18, %mul3A : vector<4096x128xf32>
    %reduce_sum3A = arith.constant dense<0.000000e+00> : vector<4096xf32>
    %reduce_sum3A_23 = vector.multi_reduction <add>, %mul3A_22, %reduce_sum3A [1] : vector<4096x128xf32> to vector<4096xf32>
    %get3A_24 = arith.constant 0 : index
    %get3A_25 = arith.constant 0 : index
    %get3A_26 = vector.load %arg6[%get3A_24, %get3A_25] : memref<1x1xf32, #tpu.memory_space<vmem>>, vector<1x1xf32>
    %get3A_27 = vector.extract %get3A_26[0, 0] : f32 from vector<1x1xf32>
    %add3A_28 = vector.broadcast %get3A_27 : f32 to vector<4096xf32>
    %add3A_29 = arith.addf %reduce_sum3A_23, %add3A_28 : vector<4096xf32>
    %logistic3A = arith.negf %add3A_29 : vector<4096xf32>
    %logistic3A_30 = math.exp %logistic3A : vector<4096xf32>
    %logistic3A_31 = arith.constant 1.000000e+00 : f32
    %logistic3A_32 = vector.broadcast %logistic3A_31 : f32 to vector<4096xf32>
    %logistic3A_33 = arith.addf %logistic3A_32, %logistic3A_30 : vector<4096xf32>
    %logistic3A_34 = arith.divf %logistic3A_32, %logistic3A_33 : vector<4096xf32>
    %mul3A_35 = arith.constant 4.000000e+00 : f32
    %mul3A_36 = vector.broadcast %mul3A_35 : f32 to vector<4096xf32>
    %mul3A_37 = arith.mulf %logistic3A_34, %mul3A_36 : vector<4096xf32>
    %add3A_38 = arith.constant 1.000000e+00 : f32
    %add3A_39 = vector.broadcast %add3A_38 : f32 to vector<4096xf32>
    %add3A_40 = arith.addf %mul3A_37, %add3A_39 : vector<4096xf32>
    %reshape3A = vector.shape_cast %add3A_40 : vector<4096xf32> to vector<32x128xf32>
    %swap3A = arith.constant 0 : index
    %swap3A_41 = arith.constant 0 : index
    %swap3A_42 = vector.load %arg7[%swap3A, %swap3A_41] : memref<32x128xf32, #tpu.memory_space<vmem>>, vector<32x128xf32>
    tpu.vector_store %arg7[%swap3A, %swap3A_41], %reshape3A {strides = array<i32>} : memref<32x128xf32, #tpu.memory_space<vmem>>, vector<32x128xf32>,
    return
  }
  func.func @transform_0(%arg0: i32) -> (i32, i32) {
    %c0_i32 = arith.constant 0 : i32
    %c0_i32_0 = arith.constant 0 : i32
    return %arg0, %c0_i32 : i32, i32
  }
  func.func @transform_1(%arg0: i32) -> (i32, i32) {
    %c0_i32 = arith.constant 0 : i32
    %c0_i32_0 = arith.constant 0 : i32
    return %arg0, %c0_i32 : i32, i32
  }
  func.func @transform_2(%arg0: i32) -> (i32, i32) {
    %c0_i32 = arith.constant 0 : i32
    %c0_i32_0 = arith.constant 0 : i32
    %c0_i32_1 = arith.constant 0 : i32
    return %c0_i32, %c0_i32_0 : i32, i32
  }
  func.func @transform_3(%arg0: i32) -> (i32, i32) {
    %c0_i32 = arith.constant 0 : i32
    %c0_i32_0 = arith.constant 0 : i32
    %c0_i32_1 = arith.constant 0 : i32
    return %c0_i32, %c0_i32_0 : i32, i32
  }
  func.func @transform_4(%arg0: i32) -> (i32, i32) {
    %c0_i32 = arith.constant 0 : i32
    %c0_i32_0 = arith.constant 0 : i32
    %c0_i32_1 = arith.constant 0 : i32
    return %c0_i32, %c0_i32_0 : i32, i32
  }
  func.func @transform_5(%arg0: i32) -> (i32, i32) {
    %c0_i32 = arith.constant 0 : i32
    %c0_i32_0 = arith.constant 0 : i32
    %c0_i32_1 = arith.constant 0 : i32
    return %c0_i32, %c0_i32_0 : i32, i32
  }
  func.func @transform_6(%arg0: i32) -> (i32, i32) {
    %c0_i32 = arith.constant 0 : i32
    %c0_i32_0 = arith.constant 0 : i32
    return %arg0, %c0_i32 : i32, i32
  }
}

</mosaic_0001>

<sc_bundles>
// kernel: kernel.4.cloned.1.call-start
scs
__scs_entry_jumppad:
0x0: {  	(pc) =	sbr.rel $0x88, $3  }
0x1: {  	(tag) =	ssettag $0x0;
	lr =	simm.s32 $0x1  }
0x2: {  	[smem:$0x3F99] =	sst lr;
	_ =	strace $0xD0000000  }
0x3: {  	_ = 	snop  }
0x4: {  	_ = 	snop  }
0x5: {  	_ = 	snop  }
0x6: {  	_ = 	snop  }
0x7: {  	_ = 	snop  }
__scs_overlays_trampoline_lowered:
0x8: {  	[smem:$0x3FA8] =	sst s0  }
0x9: {  	[smem:$0x3FA9] =	sst s1  }
0xa: {  	[smem:$0x3FAA] =	sst s2  }
0xb: {  	[smem:$0x3FAB] =	sst s3  }
0xc: {  	[smem:$0x3FAC] =	sst s4  }
0xd: {  	[smem:$0x3FAD] =	sst s5  }
0xe: {  	[smem:$0x3FAE] =	sst s6  }
0xf: {  	[smem:$0x3FAF] =	sst s7  }
0x10: {  	[smem:$0x3FB0] =	sst s8  }
0x11: {  	[smem:$0x3FB1] =	sst s9;
	s0 =	simm.s32 @!p0 $0x0  }
0x12: {  	s1 =	sld [smem:$0x3F97];
	s0 =	simm.s32 @p0 $0x1  }
0x13: {  	[smem:$0x3FB2] =	sst s0;
	s0 =	simm.s32 @!p1 $0x0  }
0x14: {  	s2 =	sld [smem:$0x3F96];
	s0 =	simm.s32 @p1 $0x1  }
0x15: {  	[smem:$0x3FB3] =	sst s0;
	s0 =	simm.s32 @!p2 $0x0  }
0x16: {  	s3 =	sld [smem:$0x3FDB];
	s0 =	simm.s32 @p2 $0x1  }
0x17: {  	s4 =	simm.s32 $0x1BF5;
	[smem:$0x3FB5] =	sst s0  }
0x18: {  	s0 =	sld [smem:$0x3F98];
	_ =	swait.ge [sflag:s4], $0x0  }
0x19: {  	s7 =	sld [smem:$0x3F99]  }
0x1a: {  	s8 =	sadd.s32 $0xFFFFE003, lr  }
0x1b: {  	s9 =	sadd.s32 $0xFFFFFEF7, lr;
	s5 =	simm.s32 $0xFFFFFFFF;
	p2 =	slt.u32 s8, $0xFFFFF086  }
0x1c: {  	p1 =	slt.u32 s9, $0xF7A;
	s5 =	simm.s32 @!p2 $0x0  }
0x1d: {  	s5 =	simm.s32 @p1 $0x1;
	p0 =	seq.s32 s7, s2  }
0x1e: {  	s7 =	smul.u32 @!p0 $0xF7A, s2;
	p2 =	seq.s32 @!p0 s5, $0x0  }
0x1f: {  	s9 =	smul.u32 $0xF7A, s1;
	s8 =	simm.s32 @!p0 $0x1BF5;
	p2 =	por !p2, p0  }
0x20: {  	[sflag:s8] =	ssyncset.s32 @!p0 $0xFFFFF086;
	s6 =	sadd.s32 @!p0 s3, s7;
	s7 =	simm.s32 @!p0 $0x108  }
0x21: {  	s3 =	sadd.s32 s3, s9;
	s6 =	sadd.s32 @!p0 $0x88, s6;
	s7 =	simm.s32 @p2 $0x1082  }
0x22: {  	[simem:s7], [sflag:s8] =	dma.local @!p0 [hbm:s6], $0xF7A  }
0x23: {  	s9 =	sor.u32 $0xD0000000, s2;
	s6 =	simm.s32 $0x108;
	_ =	swait.ge @!p0 [sflag:s8], $0x0  }
0x24: {  	s3 =	sadd.s32 $0x88, s3;
	s6 =	simm.s32 @!p1 $0x1082;
	[sflag:s4] =	ssyncset.s32 $0xFFFFF086  }
0x25: {  	[simem:s6], [sflag:s4] =	dma.local [hbm:s3], $0xF7A  }
0x26: {  	[smem:$0x3F99] =	sst s1;
	(tag) =	ssettag s2;
	_ =	strace s9  }
0x27: {  	s1 =	sld [smem:$0x3FA9]  }
0x28: {  	s2 =	sld [smem:$0x3FAA]  }
0x29: {  	s4 =	sld [smem:$0x3FAC]  }
0x2a: {  	p0 =	seq.s32 s5, $0x0;
	s5 =	sld [smem:$0x3FAD]  }
0x2b: {  	s6 =	sld [smem:$0x3FAE]  }
0x2c: {  	s7 =	sld [smem:$0x3FAF]  }
0x2d: {  	s3 =	simm.s32 $0x108;
	s8 =	sld [smem:$0x3FB0]  }
0x2e: {  	s3 =	simm.s32 @!p0 $0x1082;
	s9 =	sld [smem:$0x3FB1]  }
0x2f: {  	lr =	sadd.s32 s0, s3;
	s0 =	sld [smem:$0x3FA8]  }
0x30: {  	s3 =	sld [smem:$0x3FAB]  }
0x31: {  	[smem:$0x3FB4] =	sst s10  }
0x32: {  	s10 =	sld [smem:$0x3FB2];
	_ =	sdelay $0x3  }
0x33: {  	p0 =	seq.s32 s10, $0x1;
	s10 =	sld [smem:$0x3FB4];
	_ =	sdelay $0x3  }
0x34: {  	[smem:$0x3FB4] =	sst s10  }
0x35: {  	s10 =	sld [smem:$0x3FB3];
	_ =	sdelay $0x3  }
0x36: {  	p1 =	seq.s32 s10, $0x1;
	s10 =	sld [smem:$0x3FB4];
	_ =	sdelay $0x3  }
0x37: {  	[smem:$0x3FB4] =	sst s10  }
0x38: {  	s10 =	sld [smem:$0x3FB5]  }
0x39: {  	_ = 	snop;
	(pc) =	sbr.ind lr, $3  }
0x3a: {  	_ = 	snop  }
0x3b: {  	_ = 	snop  }
0x3c: {  	p2 =	seq.s32 s10, $0x1;
	s10 =	sld [smem:$0x3FB4]  }
0x3d: {  	_ =	shalt  }
0x3e: {  	_ =	shalt  }
0x3f: {  	_ =	shalt  }
0x40: {  	_ =	shalt  }
0x41: {  	_ =	shalt  }
0x42: {  	_ =	shalt  }
0x43: {  	_ =	shalt  }
0x44: {  	_ =	shalt  }
0x45: {  	_ =	shalt  }
0x46: {  	_ =	shalt  }
0x47: {  	_ =	shalt  }
0x48: {  	_ =	shalt  }
0x49: {  	_ =	shalt  }
0x4a: {  	_ =	shalt  }
0x4b: {  	_ =	shalt  }
0x4c: {  	_ =	shalt  }
0x4d: {  	_ =	shalt  }
0x4e: {  	_ =	shalt  }
0x4f: {  	_ =	shalt  }
0x50: {  	_ =	shalt  }
0x51: {  	_ =	shalt  }
0x52: {  	_ =	shalt  }
0x53: {  	_ =	shalt  }
0x54: {  	_ =	shalt  }
0x55: {  	_ =	shalt  }
0x56: {  	_ =	shalt  }
0x57: {  	_ =	shalt  }
0x58: {  	_ =	shalt  }
0x59: {  	_ =	shalt  }
0x5a: {  	_ =	shalt  }
0x5b: {  	_ =	shalt  }
0x5c: {  	_ =	shalt  }
0x5d: {  	_ =	shalt  }
0x5e: {  	_ =	shalt  }
0x5f: {  	_ =	shalt  }
0x60: {  	_ =	shalt  }
0x61: {  	_ =	shalt  }
0x62: {  	_ =	shalt  }
0x63: {  	_ =	shalt  }
0x64: {  	_ =	shalt  }
0x65: {  	_ =	shalt  }
0x66: {  	_ =	shalt  }
0x67: {  	_ =	shalt  }
0x68: {  	_ =	shalt  }
0x69: {  	_ =	shalt  }
0x6a: {  	_ =	shalt  }
0x6b: {  	_ =	shalt  }
0x6c: {  	_ =	shalt  }
0x6d: {  	_ =	shalt  }
0x6e: {  	_ =	shalt  }
0x6f: {  	_ =	shalt  }
0x70: {  	_ =	shalt  }
0x71: {  	_ =	shalt  }
0x72: {  	_ =	shalt  }
0x73: {  	_ =	shalt  }
0x74: {  	_ =	shalt  }
0x75: {  	_ =	shalt  }
0x76: {  	_ =	shalt  }
0x77: {  	_ =	shalt  }
0x78: {  	_ =	shalt  }
0x79: {  	_ =	shalt  }
0x7a: {  	_ =	shalt  }
0x7b: {  	_ =	shalt  }
0x7c: {  	_ =	shalt  }
0x7d: {  	_ =	shalt  }
0x7e: {  	_ =	shalt  }
0x7f: {  	_ =	shalt  }
0x80: {  	_ =	shalt  }
0x81: {  	_ =	shalt  }
0x82: {  	_ =	shalt  }
0x83: {  	_ =	shalt  }
0x84: {  	_ =	shalt  }
0x85: {  	_ =	shalt  }
0x86: {  	_ =	shalt  }
0x87: {  	_ =	shalt  }
.Lfunc_end0:
.L_simem_size_0:
called_computation_lowered:
.L_overlay_start_0:
0x88: {  	s2 =	sld [smem:$0x3FD9]  }
0x89: {  	s3 =	sld [smem:$0x3FFE];
	_ =	sdelay $0x1  }
0x8a: {  	s1 =	srdreg.scid  }
0x8b: {  	s0 =	sand.u32 $0x1, s1  }
0x8c: {  	s17 =	sshll.u32 s0, $0xA;
	s2 =	sadd.s32 s3, s2  }
0x8d: {  	s2 =	sadd.s32 s2, s17  }
0x8e: {  	[smem:$0x3FC0] =	sst s2  }
0x8f: {  	_ = 	snop  }
0x90: {  	s2 =	sld [smem:$0x3FC9]  }
0x91: {  	s18 =	sld [smem:$0x3FC8]  }
0x92: {  	s4 =	sld [smem:$0x3FC7]  }
0x93: {  	s5 =	sld [smem:$0x3FC6];
	(tm) =	ssettm $0x1  }
0x94: {  	s6 =	sld [smem:$0x3FFB];
	_ =	sdelay $0x3  }
0x95: {  	_ =	strace s6  }
0x96: {  	s6 =	sld [smem:$0x3FFC];
	_ =	sdelay $0x3  }
0x97: {  	_ =	strace s6  }
0x98: {  	s6 =	sld [smem:$0x3FFD];
	_ =	sdelay $0x3  }
0x99: {  	_ =	strace s6  }
0x9a: {  	_ =	strace $0x8FFFFFFF  }
0x9b: {  	s19 =	sld [smem:$0x3FDB];
	_ =	sdelay $0x1  }
0x9c: {  	s7 =	simm.s32 $_scs_section_size  }
0x9d: {  	s8 =	simm.s32 $_size__tile_overlayer_lowered;
	s9 =	simm.s32 $_tile_overlayer_lowered  }
0x9e: {  	s22 =	simm.s32 $0x1BFF;
	s21 =	sshll.u32 s9, $0x1;
	s6 =	sadd.s32 s7, s19  }
0x9f: {  	s10 =	simm.s32 $0x0;
	s20 =	sshll.u32 s8, $0x1;
	s8 =	sadd.s32 s21, s6  }
0xa0: {  	[timem:s10], [sflag:s22] =	dma.local [hbm:s8], s20  }
0xa1: {  	_ =	swait.ge [sflag:s22], s20  }
0xa2: {  	s7 =	ssub.s32 $0x0, s20;
	[sflag:s22] =	ssyncset.done $0x0  }
0xa3: {  	[sflag:s22] =	ssyncadd.s32 s7;
	_ =	sdelay $0x1  }
0xa4: {  	s23 =	simm.s32 $0x1B8B  }
0xa5: {  	_ =	swait.ge [sflag:s23], $0x1  }
0xa6: {  	[sflag:s23] =	ssyncset.done $0x0  }
0xa7: {  	s25 =	simm.s32 $0x1B8E;
	s24 =	sld [smem:$0x3FFE];
	[sflag:s23] =	ssyncadd.s32 $0xFFFFFFFF  }
0xa8: {  	s26 =	simm.s32 $execute0_lowered;
	[smem:$0x3FD2] =	sst s25  }
0xa9: {  	s8 =	sshll.u32 s26, $0x1;
	_ =	strace $0x80000046;
	[dreg:$0x1] =	wrdreg $0xFFFFFFFF  }
0xaa: {  	s28 =	simm.s32 $_size_execute0_lowered;
	s6 =	sadd.s32 s6, s8;
	[dreg:$0x0] =	wrdreg $0x0  }
0xab: {  	s8 =	sshll.u32 s28, $0x1;
	[dreg:$0x2] =	wrdreg s6  }
0xac: {  	[dreg:$0x3] =	wrdreg s8  }
0xad: {  	[dreg:$0x4] =	wrdreg $0xC0  }
0xae: {  	_ =	task [dreg:s10], $0x5FFFF  }
0xaf: {  	[dreg:$0x1] =	wrdreg $0xFFFFFFFF  }
0xb0: {  	[dreg:$0x0] =	wrdreg $0x60  }
0xb1: {  	[dreg:$0x2] =	wrdreg s4  }
0xb2: {  	[dreg:$0x3] =	wrdreg s5  }
0xb3: {  	[dreg:$0x4] =	wrdreg s2  }
0xb4: {  	[dreg:$0x5] =	wrdreg s18  }
0xb5: {  	[dreg:$0x6] =	wrdreg s24  }
0xb6: {  	[dreg:$0x7] =	wrdreg $0x9  }
0xb7: {  	_ =	task.clear_ibuf [dreg:s10], $0x8FFFF;
	_ =	strace $0x90000046  }
0xb8: {  	s29 =	simm.s32 $0x9;
	_ =	strace $0x80000048  }
0xb9: {  	_ =	swait.ge [sflag:s29], $0x1  }
0xba: {  	[sflag:s29] =	ssyncadd.s32 $0xFFFFFFFF  }
0xbb: {  	_ =	strace $0x90000048  }
0xbc: {  	_ =	sfence  }
0xbd: {  	s30 =	sld [smem:$0x0];
	_ =	sdelay $0x2  }
0xbe: {  	s31 =	sshll.u32 s1, $0xD;
	s1 =	sshrl.u32 s1, $0x2  }
0xbf: {  	s3 =	sand.u32 $0x4000, s31;
	s1 =	sadd.s32 s1, s30  }
0xc0: {  	s0 =	sor.u32 s3, s0;
	s1 =	sshll.u32 s1, $0x11  }
0xc1: {  	s0 =	sor.u32 s1, s0  }
0xc2: {  	s0 =	sadd.s32 $0x8F2B, s0  }
0xc3: {  	[sflag:s0] =	ssyncadd.remote.s32 $0x1  }
0xc4: {  	_ =	sfence.sel $0xFFFF  }
0xc5: {  	[dreg:$0x0] =	wrdreg $0xFFFFFFFF;
	(pc) =	sbr.abs _section_cstart, $3  }
0xc6: {  	[dreg:$0x1] =	wrdreg $0xFFFFFFFF  }
0xc7: {  	_ =	task.clear_ibuf [dreg:s10], $0x2FFFF;
	_ =	strace $0x9FFFFFFF  }
0xc8: {  	(tm) =	ssettm $0x7FFFFFFF  }
0xc9: {  	_ =	shalt  }
tec
execute0_lowered:
.L_overlay_start_1:
0x0: {  	(tag) =	ssettag $0x1  }
0x1: {  	s4 =	rddreg [dreg:$0x0]  }
0x2: {  	s2 =	rddreg [dreg:$0x1]  }
0x3: {  	s0 =	rddreg [dreg:$0x2]  }
0x4: {  	s1 =	srdreg.scid;
	s5 =	rddreg [dreg:$0x3]  }
0x5: {  	s14 =	stileid.u32;
	s6 =	rddreg [dreg:$0x4];
	s3 =	simm.s32 $0x0  }
0x6: {  	s31 =	simm.s32 $0x1;
	s30 =	simm.s32 $0x2;
	s23 =	simm.s32 $0x280  }
0x7: {  	s24 =	simm.s32 $0x100;
	s25 =	simm.s32 $0x300;
	s26 =	simm.s32 $0x180  }
0x8: {  	s29 =	simm.s32 $0x4;
	s28 =	simm.s32 $0x380;
	[smem:$0x7FF] =	sst s3  }
0x9: {  	p0 =	por $0x0, $0x0;
	_ =	strace $0x80000047;
	[dreg:$0x10] =	wrdreg s23  }
0xa: {  	s1 =	sand.u32 $0x1, s1;
	s7 =	sshll.u32 s14, $0xA;
	[dreg:$0x11] =	wrdreg s24  }
0xb: {  	s9 =	sadd.s32 $0x1200, s6;
	s6 =	sadd.s32 $0x41200, s6;
	[dreg:$0x12] =	wrdreg s25  }
0xc: {  	s8 =	sshll.u32 s1, $0x9;
	s1 =	ssub.s32 $0x2, s1;
	[dreg:$0x13] =	wrdreg s26  }
0xd: {  	s26 =	simm.s32 $0x5;
	s25 =	simm.s32 $0x6;
	s24 =	simm.s32 $0x7  }
0xe: {  	s23 =	simm.s32 $0x8;
	[dreg:$0x14] =	wrdreg s28;
	s7 =	sor.u32 s8, s7  }
0xf: {  	s20 =	sshrl.u32 s1, $0x1;
	s8 =	sshrl.u32 s7, $0x3;
	s10 =	sshll.u32 s7, $0x4  }
0x10: {  	s1 =	ssub.s32 s1, s20;
	s0 =	sadd.s32 s0, s8;
	s8 =	sadd.s32 s5, s8  }
0x11: {  	s11 =	sadd.s32 s9, s10;
	s12 =	sadd.s32 s6, s10;
	[dreg:$0x6] =	wrdreg s0  }
0x12: {  	s7 =	sor.u32 $0x800, s10;
	s16 =	sor.u32 $0x1000, s10;
	[dreg:$0x7] =	wrdreg s8  }
0x13: {  	s5 =	sor.u32 $0x1800, s10;
	s22 =	smax.u32 s1, $0x1;
	[dreg:$0x8] =	wrdreg s11  }
0x14: {  	s1 =	simm.s32 $0x3;
	s10 =	simm.s32 $0xF;
	[dreg:$0x9] =	wrdreg s12  }
0x15: {  	s13 =	sadd.s32 s9, s7;
	s15 =	sadd.s32 s6, s7;
	s17 =	sadd.s32 s9, s16  }
0x16: {  	s18 =	sadd.s32 s6, s16;
	s19 =	sadd.s32 s9, s5;
	[dreg:$0xa] =	wrdreg s13  }
0x17: {  	s21 =	sadd.s32 s6, s5;
	s6 =	simm.s32 $0x80;
	[dreg:$0xb] =	wrdreg s15  }
0x18: {  	s5 =	simm.s32 $0x400;
	p1 =	sne.s32 s22, $0x1;
	[dreg:$0xc] =	wrdreg s17  }
.Ltmp0:
0x19: {  	s7 =	sadd.s32 $0xFFFFFFFF, s22;
	[dreg:$0xd] =	wrdreg s18;
	(pc) =	sbr.rel @!p1 .LBB2_5-.Ltmp0, $4  }
0x1a: {  	s16 =	simm.s32 $0xC;
	s11 =	simm.s32 $0xE;
	[dreg:$0xe] =	wrdreg s19  }
0x1b: {  	s9 =	simm.s32 $0x10;
	s8 =	simm.s32 $0x11;
	[dreg:$0xf] =	wrdreg s21  }
0x1c: {  	s21 =	simm.s32 $0x9;
	s18 =	simm.s32 $0xB;
	s15 =	simm.s32 $0xA  }
0x1d: {  	s13 =	simm.s32 $0xD;
	s19 =	simm.s32 $0x12;
	s12 =	rddreg [dreg:$0x6]  }
0x1e: {  	[tilespmem:s3], [sflag:$0x1] =	stream.linear.gather [hbm4b:s12+s3], $0x200, $0x38;
	[tilespmem:$0x1C400] =	vst v63  }
0x1f: {  	s0 =	rddreg [dreg:$0x7];
	s28 =	simm.s32 $0x200  }
0x20: {  	[tilespmem:s28], [sflag:$0x2] =	stream.linear.gather [hbm4b:s0+s3], $0x200, $0x38;
	[tilespmem:$0x1C400] =	vst v63  }
0x21: {  	_ =	swait.ge [sflag:s31], $0x200  }
0x22: {  	[sflag:s31] =	ssyncset.done $0x0  }
0x23: {  	[sflag:s31] =	ssyncadd.s32 $0xFFFFFE00  }
0x24: {  	_ =	swait.ge [sflag:s30], $0x200  }
0x25: {  	[sflag:s30] =	ssyncset.done $0x0  }
0x26: {  	[sflag:s30] =	ssyncadd.s32 $0xFFFFFE00  }
0x27: {  	[tilespmem:s5], [sflag:$0x3] =	stream.indirect.gather [hbm4b:s4+s6], $0x80, s3, s6, $0xb8;
	[tilespmem:$0x1C400] =	vst v63  }
0x28: {  	s14 =	simm.s32 $0x4400  }
0x29: {  	[tilespmem:s14], [sflag:$0x4] =	stream.indirect.gather [hbm4b:s2+s6], $0x80, s28, s6, $0xb8;
	[tilespmem:$0x1C400] =	vst v63  }
0x2a: {  	s28 =	simm.s32 $0x8400  }
0x2b: {  	[tilespmem:s28], [sflag:$0x5] =	stream.indirect.gather [hbm4b:s4+s6], $0x80, s6, s6, $0xb8;
	[tilespmem:$0x1C400] =	vst v63  }
0x2c: {  	s22 =	simm.s32 $0xC400;
	s12 =	rddreg [dreg:$0x10]  }
0x2d: {  	[tilespmem:s22], [sflag:$0x6] =	stream.indirect.gather [hbm4b:s2+s6], $0x80, s12, s6, $0xb8;
	[tilespmem:$0x1C400] =	vst v63  }
0x2e: {  	s20 =	simm.s32 $0x10400;
	s17 =	rddreg [dreg:$0x11]  }
0x2f: {  	[tilespmem:s20], [sflag:$0x7] =	stream.indirect.gather [hbm4b:s4+s6], $0x80, s17, s6, $0xb8;
	[tilespmem:$0x1C400] =	vst v63  }
0x30: {  	s0 =	rddreg [dreg:$0x12];
	s17 =	simm.s32 $0x14400  }
0x31: {  	[tilespmem:s17], [sflag:$0x8] =	stream.indirect.gather [hbm4b:s2+s6], $0x80, s0, s6, $0xb8;
	[tilespmem:$0x1C400] =	vst v63  }
0x32: {  	s12 =	rddreg [dreg:$0x13];
	s0 =	simm.s32 $0x18400  }
0x33: {  	[tilespmem:s0], [sflag:$0x9] =	stream.indirect.gather [hbm4b:s4+s6], $0x80, s12, s6, $0xb8;
	[tilespmem:$0x1C400] =	vst v63  }
0x34: {  	_ =	swait.ge [sflag:s1], $0x4000  }
0x35: {  	[sflag:s1] =	ssyncset.done $0x0  }
0x36: {  	s0 =	rddreg [dreg:$0x8];
	[sflag:s1] =	ssyncadd.s32 $0xFFFFC000  }
0x37: {  	[hbm4b:s0+s3] =	stream.linear.scatter [tilespmem:s5], [sflag:$0xB], $0x4000, $0x38;
	[tilespmem:$0x1C400] =	vst v63  }
0x38: {  	_ =	swait.ge [sflag:s29], $0x4000  }
0x39: {  	[sflag:s29] =	ssyncset.done $0x0  }
0x3a: {  	s0 =	rddreg [dreg:$0x9];
	[sflag:s29] =	ssyncadd.s32 $0xFFFFC000  }
0x3b: {  	[hbm4b:s0+s3] =	stream.linear.scatter [tilespmem:s14], [sflag:$0xC], $0x4000, $0x38;
	[tilespmem:$0x1C400] =	vst v63  }
0x3c: {  	_ =	swait.ge [sflag:s26], $0x4000  }
0x3d: {  	[sflag:s26] =	ssyncset.done $0x0  }
0x3e: {  	s14 =	rddreg [dreg:$0xa];
	[sflag:s26] =	ssyncadd.s32 $0xFFFFC000  }
0x3f: {  	[hbm4b:s14+s3] =	stream.linear.scatter [tilespmem:s28], [sflag:$0xD], $0x4000, $0x38;
	[tilespmem:$0x1C400] =	vst v63  }
0x40: {  	_ =	swait.ge [sflag:s25], $0x4000  }
0x41: {  	[sflag:s25] =	ssyncset.done $0x0  }
0x42: {  	s14 =	rddreg [dreg:$0xb];
	[sflag:s25] =	ssyncadd.s32 $0xFFFFC000  }
0x43: {  	[hbm4b:s14+s3] =	stream.linear.scatter [tilespmem:s22], [sflag:$0xE], $0x4000, $0x38;
	[tilespmem:$0x1C400] =	vst v63  }
0x44: {  	_ =	swait.ge [sflag:s24], $0x4000  }
0x45: {  	[sflag:s24] =	ssyncset.done $0x0  }
0x46: {  	s28 =	rddreg [dreg:$0xc];
	[sflag:s24] =	ssyncadd.s32 $0xFFFFC000  }
0x47: {  	[hbm4b:s28+s3] =	stream.linear.scatter [tilespmem:s20], [sflag:$0xF], $0x4000, $0x38;
	[tilespmem:$0x1C400] =	vst v63  }
0x48: {  	_ =	swait.ge [sflag:s23], $0x4000  }
0x49: {  	[sflag:s23] =	ssyncset.done $0x0  }
0x4a: {  	s14 =	rddreg [dreg:$0xd];
	[sflag:s23] =	ssyncadd.s32 $0xFFFFC000  }
0x4b: {  	[hbm4b:s14+s3] =	stream.linear.scatter [tilespmem:s17], [sflag:$0x10], $0x4000, $0x38;
	[tilespmem:$0x1C400] =	vst v63  }
0x4c: {  	_ =	swait.ge [sflag:s21], $0x4000  }
0x4d: {  	[sflag:s21] =	ssyncset.done $0x0  }
0x4e: {  	s12 =	simm.s32 $0x18400;
	s20 =	rddreg [dreg:$0xe];
	[sflag:s21] =	ssyncadd.s32 $0xFFFFC000  }
0x4f: {  	[hbm4b:s20+s3] =	stream.linear.scatter [tilespmem:s12], [sflag:$0x11], $0x4000, $0x38;
	[tilespmem:$0x1C400] =	vst v63  }
0x50: {  	_ =	swait.ge [sflag:s18], $0x4000  }
0x51: {  	[sflag:s18] =	ssyncset.done $0x0  }
0x52: {  	s22 =	rddreg [dreg:$0x14];
	[sflag:s18] =	ssyncadd.s32 $0xFFFFC000  }
0x53: {  	[tilespmem:s5], [sflag:$0xA] =	stream.indirect.gather [hbm4b:s2+s6], $0x80, s22, s6, $0xb8;
	[tilespmem:$0x1C400] =	vst v63  }
0x54: {  	_ =	swait.ge [sflag:s15], $0x4000  }
0x55: {  	[sflag:s15] =	ssyncset.done $0x0  }
0x56: {  	s28 =	rddreg [dreg:$0xf];
	[sflag:s15] =	ssyncadd.s32 $0xFFFFC000  }
0x57: {  	[hbm4b:s28+s3] =	stream.linear.scatter [tilespmem:s5], [sflag:$0x12], $0x4000, $0x38;
	[tilespmem:$0x1C400] =	vst v63  }
0x58: {  	_ =	swait.ge [sflag:s16], $0x4000  }
0x59: {  	[sflag:s16] =	ssyncset.done $0x0  }
0x5a: {  	[sflag:s16] =	ssyncadd.s32 $0xFFFFC000  }
0x5b: {  	_ =	swait.ge [sflag:s13], $0x4000  }
0x5c: {  	[sflag:s13] =	ssyncset.done $0x0  }
0x5d: {  	[sflag:s13] =	ssyncadd.s32 $0xFFFFC000  }
0x5e: {  	_ =	swait.ge [sflag:s11], $0x4000  }
0x5f: {  	[sflag:s11] =	ssyncset.done $0x0  }
0x60: {  	[sflag:s11] =	ssyncadd.s32 $0xFFFFC000  }
0x61: {  	_ =	swait.ge [sflag:s10], $0x4000  }
0x62: {  	[sflag:s10] =	ssyncset.done $0x0  }
0x63: {  	[sflag:s10] =	ssyncadd.s32 $0xFFFFC000  }
0x64: {  	_ =	swait.ge [sflag:s9], $0x4000  }
0x65: {  	[sflag:s9] =	ssyncset.done $0x0  }
0x66: {  	p1 =	sne.s32 s7, $0x1;
	[sflag:s9] =	ssyncadd.s32 $0xFFFFC000  }
.Ltmp1:
0x67: {  	_ =	swait.ge [sflag:s8], $0x4000;
	(pc) =	sbr.rel @!p1 .LBB2_6-.Ltmp1, $4  }
0x68: {  	[sflag:s8] =	ssyncset.done $0x0  }
0x69: {  	[sflag:s8] =	ssyncadd.s32 $0xFFFFC000  }
0x6a: {  	p0 =	por $0x1, $0x1;
	_ =	swait.ge [sflag:s19], $0x4000  }
0x6b: {  	s0 =	sadd.s32 $0xFFFFFFFF, s7;
	s12 =	rddreg [dreg:$0x6];
	[sflag:s19] =	ssyncset.done $0x0  }
0x6c: {  	s28 =	simm.s32 $0x4400;
	s22 =	simm.s32 $0x8400  }
0x6d: {  	s20 =	simm.s32 $0xC400;
	s17 =	simm.s32 $0x14400;
	s7 =	simm.s32 $0x18400  }
.LBB2_3:
0x6e: {  	[sflag:s19] =	ssyncadd.s32 $0xFFFFC000  }
0x6f: {  	[tilespmem:s3], [sflag:$0x1] =	stream.linear.gather [hbm4b:s12+s3], $0x200, $0x38;
	[tilespmem:$0x1C400] =	vst v63  }
0x70: {  	s14 =	rddreg [dreg:$0x7];
	s19 =	simm.s32 $0x200  }
0x71: {  	[tilespmem:s19], [sflag:$0x2] =	stream.linear.gather [hbm4b:s14+s3], $0x200, $0x38;
	[tilespmem:$0x1C400] =	vst v63  }
0x72: {  	_ =	swait.ge [sflag:s31], $0x200  }
0x73: {  	[sflag:s31] =	ssyncset.done $0x0  }
0x74: {  	[sflag:s31] =	ssyncadd.s32 $0xFFFFFE00  }
0x75: {  	_ =	swait.ge [sflag:s30], $0x200  }
0x76: {  	[sflag:s30] =	ssyncset.done $0x0  }
0x77: {  	[sflag:s30] =	ssyncadd.s32 $0xFFFFFE00  }
0x78: {  	[tilespmem:s5], [sflag:$0x3] =	stream.indirect.gather [hbm4b:s4+s6], $0x80, s3, s6, $0xb8;
	[tilespmem:$0x1C400] =	vst v63  }
0x79: {  	_ = 	snop  }
0x7a: {  	[tilespmem:s28], [sflag:$0x4] =	stream.indirect.gather [hbm4b:s2+s6], $0x80, s19, s6, $0xb8;
	[tilespmem:$0x1C400] =	vst v63  }
0x7b: {  	_ = 	snop  }
0x7c: {  	[tilespmem:s22], [sflag:$0x5] =	stream.indirect.gather [hbm4b:s4+s6], $0x80, s6, s6, $0xb8;
	[tilespmem:$0x1C400] =	vst v63  }
0x7d: {  	s19 =	rddreg [dreg:$0x10]  }
0x7e: {  	[tilespmem:s20], [sflag:$0x6] =	stream.indirect.gather [hbm4b:s2+s6], $0x80, s19, s6, $0xb8;
	[tilespmem:$0x1C400] =	vst v63  }
0x7f: {  	s14 =	rddreg [dreg:$0x11];
	s19 =	simm.s32 $0x10400  }
0x80: {  	[tilespmem:s19], [sflag:$0x7] =	stream.indirect.gather [hbm4b:s4+s6], $0x80, s14, s6, $0xb8;
	[tilespmem:$0x1C400] =	vst v63  }
0x81: {  	s12 =	rddreg [dreg:$0x12]  }
0x82: {  	[tilespmem:s17], [sflag:$0x8] =	stream.indirect.gather [hbm4b:s2+s6], $0x80, s12, s6, $0xb8;
	[tilespmem:$0x1C400] =	vst v63  }
0x83: {  	s14 =	rddreg [dreg:$0x13]  }
0x84: {  	[tilespmem:s7], [sflag:$0x9] =	stream.indirect.gather [hbm4b:s4+s6], $0x80, s14, s6, $0xb8;
	[tilespmem:$0x1C400] =	vst v63  }
0x85: {  	_ =	swait.ge [sflag:s1], $0x4000  }
0x86: {  	[sflag:s1] =	ssyncset.done $0x0  }
0x87: {  	s14 =	rddreg [dreg:$0x8];
	[sflag:s1] =	ssyncadd.s32 $0xFFFFC000  }
0x88: {  	[hbm4b:s14+s3] =	stream.linear.scatter [tilespmem:s5], [sflag:$0xB], $0x4000, $0x38;
	[tilespmem:$0x1C400] =	vst v63  }
0x89: {  	_ =	swait.ge [sflag:s29], $0x4000  }
0x8a: {  	[sflag:s29] =	ssyncset.done $0x0  }
0x8b: {  	s14 =	rddreg [dreg:$0x9];
	[sflag:s29] =	ssyncadd.s32 $0xFFFFC000  }
0x8c: {  	[hbm4b:s14+s3] =	stream.linear.scatter [tilespmem:s28], [sflag:$0xC], $0x4000, $0x38;
	[tilespmem:$0x1C400] =	vst v63  }
0x8d: {  	_ =	swait.ge [sflag:s26], $0x4000  }
0x8e: {  	[sflag:s26] =	ssyncset.done $0x0  }
0x8f: {  	s14 =	rddreg [dreg:$0xa];
	[sflag:s26] =	ssyncadd.s32 $0xFFFFC000  }
0x90: {  	[hbm4b:s14+s3] =	stream.linear.scatter [tilespmem:s22], [sflag:$0xD], $0x4000, $0x38;
	[tilespmem:$0x1C400] =	vst v63  }
0x91: {  	_ =	swait.ge [sflag:s25], $0x4000  }
0x92: {  	[sflag:s25] =	ssyncset.done $0x0  }
0x93: {  	s14 =	rddreg [dreg:$0xb];
	[sflag:s25] =	ssyncadd.s32 $0xFFFFC000  }
0x94: {  	[hbm4b:s14+s3] =	stream.linear.scatter [tilespmem:s20], [sflag:$0xE], $0x4000, $0x38;
	[tilespmem:$0x1C400] =	vst v63  }
0x95: {  	_ =	swait.ge [sflag:s24], $0x4000  }
0x96: {  	[sflag:s24] =	ssyncset.done $0x0  }
0x97: {  	s14 =	rddreg [dreg:$0xc];
	[sflag:s24] =	ssyncadd.s32 $0xFFFFC000  }
0x98: {  	[hbm4b:s14+s3] =	stream.linear.scatter [tilespmem:s19], [sflag:$0xF], $0x4000, $0x38;
	[tilespmem:$0x1C400] =	vst v63  }
0x99: {  	_ =	swait.ge [sflag:s23], $0x4000  }
0x9a: {  	[sflag:s23] =	ssyncset.done $0x0  }
0x9b: {  	s14 =	rddreg [dreg:$0xd];
	[sflag:s23] =	ssyncadd.s32 $0xFFFFC000  }
0x9c: {  	[hbm4b:s14+s3] =	stream.linear.scatter [tilespmem:s17], [sflag:$0x10], $0x4000, $0x38;
	[tilespmem:$0x1C400] =	vst v63  }
0x9d: {  	_ =	swait.ge [sflag:s21], $0x4000  }
0x9e: {  	[sflag:s21] =	ssyncset.done $0x0  }
0x9f: {  	s14 =	rddreg [dreg:$0xe];
	[sflag:s21] =	ssyncadd.s32 $0xFFFFC000  }
0xa0: {  	[hbm4b:s14+s3] =	stream.linear.scatter [tilespmem:s7], [sflag:$0x11], $0x4000, $0x38;
	[tilespmem:$0x1C400] =	vst v63  }
0xa1: {  	_ =	swait.ge [sflag:s18], $0x4000  }
0xa2: {  	[sflag:s18] =	ssyncset.done $0x0  }
0xa3: {  	s14 =	rddreg [dreg:$0x14];
	[sflag:s18] =	ssyncadd.s32 $0xFFFFC000  }
0xa4: {  	[tilespmem:s5], [sflag:$0xA] =	stream.indirect.gather [hbm4b:s2+s6], $0x80, s14, s6, $0xb8;
	[tilespmem:$0x1C400] =	vst v63  }
0xa5: {  	_ =	swait.ge [sflag:s15], $0x4000  }
0xa6: {  	[sflag:s15] =	ssyncset.done $0x0  }
0xa7: {  	s14 =	rddreg [dreg:$0xf];
	[sflag:s15] =	ssyncadd.s32 $0xFFFFC000  }
0xa8: {  	[hbm4b:s14+s3] =	stream.linear.scatter [tilespmem:s5], [sflag:$0x12], $0x4000, $0x38;
	[tilespmem:$0x1C400] =	vst v63  }
0xa9: {  	_ =	swait.ge [sflag:s16], $0x4000  }
0xaa: {  	[sflag:s16] =	ssyncset.done $0x0  }
0xab: {  	[sflag:s16] =	ssyncadd.s32 $0xFFFFC000  }
0xac: {  	_ =	swait.ge [sflag:s13], $0x4000  }
0xad: {  	[sflag:s13] =	ssyncset.done $0x0  }
0xae: {  	[sflag:s13] =	ssyncadd.s32 $0xFFFFC000  }
0xaf: {  	_ =	swait.ge [sflag:s11], $0x4000  }
0xb0: {  	[sflag:s11] =	ssyncset.done $0x0  }
0xb1: {  	[sflag:s11] =	ssyncadd.s32 $0xFFFFC000  }
0xb2: {  	_ =	swait.ge [sflag:s10], $0x4000  }
0xb3: {  	[sflag:s10] =	ssyncset.done $0x0  }
0xb4: {  	[sflag:s10] =	ssyncadd.s32 $0xFFFFC000  }
0xb5: {  	_ =	swait.ge [sflag:s9], $0x4000  }
0xb6: {  	[sflag:s9] =	ssyncset.done $0x0  }
0xb7: {  	p1 =	sne.s32 s0, $0x1;
	[sflag:s9] =	ssyncadd.s32 $0xFFFFC000  }
.Ltmp2:
0xb8: {  	_ =	swait.ge [sflag:s8], $0x4000;
	(pc) =	sbr.rel @p1 .LBB2_3-.Ltmp2, $4  }
0xb9: {  	[sflag:s8] =	ssyncset.done $0x0  }
0xba: {  	s19 =	simm.s32 $0x12;
	[sflag:s8] =	ssyncadd.s32 $0xFFFFC000  }
0xbb: {  	_ =	swait.ge [sflag:s19], $0x4000  }
0xbc: {  	s0 =	sadd.s32 $0xFFFFFFFF, s0;
	s12 =	rddreg [dreg:$0x6];
	[sflag:s19] =	ssyncset.done $0x0  }
0xbd: {  	s14 =	stileid.u32  }
.LBB2_5:
0xbe: {  	[sflag:s19] =	ssyncadd.s32 @p0 $0xFFFFC000  }
0xbf: {  	[tilespmem:s3], [sflag:$0x1] =	stream.linear.gather [hbm4b:s12+s3], $0x200, $0x38;
	[tilespmem:$0x1C400] =	vst v63  }
0xc0: {  	s0 =	rddreg [dreg:$0x7];
	s28 =	simm.s32 $0x200  }
0xc1: {  	[tilespmem:s28], [sflag:$0x2] =	stream.linear.gather [hbm4b:s0+s3], $0x200, $0x38;
	[tilespmem:$0x1C400] =	vst v63  }
0xc2: {  	_ =	swait.ge [sflag:s31], $0x200  }
0xc3: {  	[sflag:s31] =	ssyncset.done $0x0  }
0xc4: {  	[sflag:s31] =	ssyncadd.s32 $0xFFFFFE00  }
0xc5: {  	_ =	swait.ge [sflag:s30], $0x200  }
0xc6: {  	[sflag:s30] =	ssyncset.done $0x0  }
0xc7: {  	[sflag:s30] =	ssyncadd.s32 $0xFFFFFE00  }
0xc8: {  	[tilespmem:s5], [sflag:$0x3] =	stream.indirect.gather [hbm4b:s4+s6], $0x80, s3, s6, $0xb8;
	[tilespmem:$0x1C400] =	vst v63  }
0xc9: {  	s30 =	simm.s32 $0x4400  }
0xca: {  	[tilespmem:s30], [sflag:$0x4] =	stream.indirect.gather [hbm4b:s2+s6], $0x80, s28, s6, $0xb8;
	[tilespmem:$0x1C400] =	vst v63  }
0xcb: {  	s28 =	simm.s32 $0x8400  }
0xcc: {  	[tilespmem:s28], [sflag:$0x5] =	stream.indirect.gather [hbm4b:s4+s6], $0x80, s6, s6, $0xb8;
	[tilespmem:$0x1C400] =	vst v63  }
0xcd: {  	s22 =	simm.s32 $0xC400;
	s31 =	rddreg [dreg:$0x10]  }
0xce: {  	[tilespmem:s22], [sflag:$0x6] =	stream.indirect.gather [hbm4b:s2+s6], $0x80, s31, s6, $0xb8;
	[tilespmem:$0x1C400] =	vst v63  }
0xcf: {  	s20 =	simm.s32 $0x10400;
	s7 =	rddreg [dreg:$0x11]  }
0xd0: {  	[tilespmem:s20], [sflag:$0x7] =	stream.indirect.gather [hbm4b:s4+s6], $0x80, s7, s6, $0xb8;
	[tilespmem:$0x1C400] =	vst v63  }
0xd1: {  	s19 =	simm.s32 $0x14400;
	s17 =	rddreg [dreg:$0x12]  }
0xd2: {  	[tilespmem:s19], [sflag:$0x8] =	stream.indirect.gather [hbm4b:s2+s6], $0x80, s17, s6, $0xb8;
	[tilespmem:$0x1C400] =	vst v63  }
0xd3: {  	s31 =	rddreg [dreg:$0x13];
	s17 =	simm.s32 $0x18400  }
0xd4: {  	[tilespmem:s17], [sflag:$0x9] =	stream.indirect.gather [hbm4b:s4+s6], $0x80, s31, s6, $0xb8;
	[tilespmem:$0x1C400] =	vst v63  }
0xd5: {  	_ =	swait.ge [sflag:s1], $0x4000  }
0xd6: {  	[sflag:s1] =	ssyncset.done $0x0  }
0xd7: {  	s31 =	rddreg [dreg:$0x8];
	[sflag:s1] =	ssyncadd.s32 $0xFFFFC000  }
0xd8: {  	[hbm4b:s31+s3] =	stream.linear.scatter [tilespmem:s5], [sflag:$0xB], $0x4000, $0x38;
	[tilespmem:$0x1C400] =	vst v63  }
0xd9: {  	_ =	swait.ge [sflag:s29], $0x4000  }
0xda: {  	[sflag:s29] =	ssyncset.done $0x0  }
0xdb: {  	s1 =	rddreg [dreg:$0x9];
	[sflag:s29] =	ssyncadd.s32 $0xFFFFC000  }
0xdc: {  	[hbm4b:s1+s3] =	stream.linear.scatter [tilespmem:s30], [sflag:$0xC], $0x4000, $0x38;
	[tilespmem:$0x1C400] =	vst v63  }
0xdd: {  	_ =	swait.ge [sflag:s26], $0x4000  }
0xde: {  	[sflag:s26] =	ssyncset.done $0x0  }
0xdf: {  	s4 =	rddreg [dreg:$0xa];
	[sflag:s26] =	ssyncadd.s32 $0xFFFFC000  }
0xe0: {  	[hbm4b:s4+s3] =	stream.linear.scatter [tilespmem:s28], [sflag:$0xD], $0x4000, $0x38;
	[tilespmem:$0x1C400] =	vst v63  }
0xe1: {  	_ =	swait.ge [sflag:s25], $0x4000  }
0xe2: {  	[sflag:s25] =	ssyncset.done $0x0  }
0xe3: {  	s12 =	rddreg [dreg:$0xb];
	[sflag:s25] =	ssyncadd.s32 $0xFFFFC000  }
0xe4: {  	[hbm4b:s12+s3] =	stream.linear.scatter [tilespmem:s22], [sflag:$0xE], $0x4000, $0x38;
	[tilespmem:$0x1C400] =	vst v63  }
0xe5: {  	_ =	swait.ge [sflag:s24], $0x4000  }
0xe6: {  	[sflag:s24] =	ssyncset.done $0x0  }
0xe7: {  	s26 =	rddreg [dreg:$0xc];
	[sflag:s24] =	ssyncadd.s32 $0xFFFFC000  }
0xe8: {  	[hbm4b:s26+s3] =	stream.linear.scatter [tilespmem:s20], [sflag:$0xF], $0x4000, $0x38;
	[tilespmem:$0x1C400] =	vst v63  }
0xe9: {  	_ =	swait.ge [sflag:s23], $0x4000  }
0xea: {  	[sflag:s23] =	ssyncset.done $0x0  }
0xeb: {  	s28 =	rddreg [dreg:$0xd];
	[sflag:s23] =	ssyncadd.s32 $0xFFFFC000  }
0xec: {  	[hbm4b:s28+s3] =	stream.linear.scatter [tilespmem:s19], [sflag:$0x10], $0x4000, $0x38;
	[tilespmem:$0x1C400] =	vst v63  }
0xed: {  	_ =	swait.ge [sflag:s21], $0x4000  }
0xee: {  	[sflag:s21] =	ssyncset.done $0x0  }
0xef: {  	s29 =	rddreg [dreg:$0xe];
	[sflag:s21] =	ssyncadd.s32 $0xFFFFC000  }
0xf0: {  	[hbm4b:s29+s3] =	stream.linear.scatter [tilespmem:s17], [sflag:$0x11], $0x4000, $0x38;
	[tilespmem:$0x1C400] =	vst v63  }
0xf1: {  	_ =	swait.ge [sflag:s18], $0x4000  }
0xf2: {  	[sflag:s18] =	ssyncset.done $0x0  }
0xf3: {  	s30 =	rddreg [dreg:$0x14];
	[sflag:s18] =	ssyncadd.s32 $0xFFFFC000  }
0xf4: {  	[tilespmem:s5], [sflag:$0xA] =	stream.indirect.gather [hbm4b:s2+s6], $0x80, s30, s6, $0xb8;
	[tilespmem:$0x1C400] =	vst v63  }
0xf5: {  	_ =	swait.ge [sflag:s15], $0x4000  }
0xf6: {  	[sflag:s15] =	ssyncset.done $0x0  }
0xf7: {  	s31 =	rddreg [dreg:$0xf];
	[sflag:s15] =	ssyncadd.s32 $0xFFFFC000  }
0xf8: {  	[hbm4b:s31+s3] =	stream.linear.scatter [tilespmem:s5], [sflag:$0x12], $0x4000, $0x38;
	[tilespmem:$0x1C400] =	vst v63  }
0xf9: {  	_ =	swait.ge [sflag:s16], $0x4000  }
0xfa: {  	[sflag:s16] =	ssyncset.done $0x0  }
0xfb: {  	[sflag:s16] =	ssyncadd.s32 $0xFFFFC000  }
0xfc: {  	_ =	swait.ge [sflag:s13], $0x4000  }
0xfd: {  	[sflag:s13] =	ssyncset.done $0x0  }
0xfe: {  	[sflag:s13] =	ssyncadd.s32 $0xFFFFC000  }
0xff: {  	_ =	swait.ge [sflag:s11], $0x4000  }
0x100: {  	[sflag:s11] =	ssyncset.done $0x0  }
0x101: {  	[sflag:s11] =	ssyncadd.s32 $0xFFFFC000  }
0x102: {  	_ =	swait.ge [sflag:s10], $0x4000  }
0x103: {  	[sflag:s10] =	ssyncset.done $0x0  }
0x104: {  	[sflag:s10] =	ssyncadd.s32 $0xFFFFC000  }
0x105: {  	_ =	swait.ge [sflag:s9], $0x4000  }
0x106: {  	[sflag:s9] =	ssyncset.done $0x0  }
0x107: {  	[sflag:s9] =	ssyncadd.s32 $0xFFFFC000  }
0x108: {  	_ =	swait.ge [sflag:s8], $0x4000  }
0x109: {  	[sflag:s8] =	ssyncset.done $0x0  }
0x10a: {  	s7 =	simm.s32 $0x12;
	[sflag:s8] =	ssyncadd.s32 $0xFFFFC000  }
0x10b: {  	_ =	swait.ge [sflag:s7], $0x4000  }
0x10c: {  	[sflag:s7] =	ssyncset.done $0x0  }
0x10d: {  	[sflag:s7] =	ssyncadd.s32 $0xFFFFC000  }
0x10e: {  	_ =	sfence.sel $0x180000  }
0x10f: {  	[bflag:$0x0] =	sbarrier.arrive $0xFFFF  }
0x110: {  	_ =	strace $0x90000047  }
0x111: {  	[bflag:$0x2] =	sbarrier.arrive $0xFFFF  }
0x112: {  	p0 =	sne.s32 s14, $0x0;
	s0 =	rddreg [dreg:$0x5]  }
0x113: {  	s0 =	sadd.s32 @!p0 $0x100000, s0  }
0x114: {  	[sflag:s0] =	ssyncadd.tile.s32 @!p0 $0x1;
	_ =	shalt  }
.LBB2_6:
.Ltmp3:
0x115: {  	(pc) =	sbr.rel .LBB2_5-.Ltmp3, $2  }
0x116: {  	_ =	sdelay $0x2  }
0x117: {  	s14 =	stileid.u32  }
.Lfunc_end2:
_tile_overlayer_lowered:
.L_overlay_start_2:
0x118: {  	(tag) =	ssettag $0x2  }
0x119: {  	s0 =	rddreg [dreg:$0x0];
	s2 =	stileid.u32  }
0x11a: {  	s1 =	rddreg [dreg:$0x1];
	p0 =	sne.s32 s2, $0x0  }
0x11b: {  	s3 =	rddreg [dreg:$0x2];
	[bflag:$0x3] =	sbarrier.arrive $0xFFFF;
	s2 =	simm.s32 @!p0 $0x1C13  }
0x11c: {  	[timem:s3], [sflag:s2] =	dma.local @!p0 [hbm:s0], s1  }
0x11d: {  	s0 =	simm.s32 @!p0 $0x13  }
0x11e: {  	_ =	swait.ge @!p0 [sflag:s0], s1  }
0x11f: {  	s1 =	ssub.s32 @!p0 $0x0, s1;
	[sflag:s0] =	ssyncset.done @!p0 $0x0  }
0x120: {  	[sflag:s0] =	ssyncadd.s32 @!p0 s1  }
0x121: {  	[bflag:$0x3] =	sbarrier.arrive $0xFFFF  }
0x122: {  	_ =	shalt  }

</sc_bundles>
